<compile_context>
chip_gen: v7x
topology: tpu7x:2x2x1
jax: 0.10.2.dev20260603
libtpu: 0.0.44.dev20260713+nightly
codegen_flags: <defaults>
</compile_context>

<pallas_src>
import functools

import jax
import jax.numpy as jnp
from jax import lax
from jax.experimental import pallas as pl
from jax.experimental.pallas import tpu as pltpu
from jax.experimental.pallas import tpu_sc as plsc

N = 10000
E = 320000
F_IN = 128
H = 128
C = 40
NT = 1000
CPAD = 128

RB = 1000
GRID = N // RB

NC = 2
NS = 16
LK = 80
EPW = E // NS
NCH = EPW // LK
NPAD = 10240
RPT = NPAD // NS
ZB = 128

NTP = 1024
RPW = NTP // (NC * NS)


def _support_body(x_ref, w1_ref, w2_ref, o_ref):
    xb = x_ref[...]
    o_ref[0] = jnp.dot(xb, w1_ref[...], preferred_element_type=jnp.float32)
    o_ref[1] = jnp.dot(xb, w2_ref[...], preferred_element_type=jnp.float32)


def _support(x, W1, W2):
    return pl.pallas_call(
        _support_body,
        grid=(GRID,),
        in_specs=[
            pl.BlockSpec((RB, F_IN), lambda i: (i, 0)),
            pl.BlockSpec((F_IN, H), lambda i: (0, 0)),
            pl.BlockSpec((F_IN, H), lambda i: (0, 0)),
        ],
        out_specs=pl.BlockSpec((2, RB, H), lambda i: (0, i, 0)),
        out_shape=jax.ShapeDtypeStruct((2, N, H), jnp.float32),
    )(x, W1, W2)


def _seg_body(sup_ref, src_ref, dst_ref, w_ref, out_ref,
              src_v, dst_v, w_v, rows_v, zbuf, acc_sh, sem):
    c = lax.axis_index("c")
    s = lax.axis_index("s")
    coff = c * N

    def zrow(i, carry):
        for j in range(H // 16):
            zbuf[i, pl.ds(j * 16, 16)] = jnp.zeros((16,), jnp.float32)
        return carry
    lax.fori_loop(0, ZB, zrow, None)
    for kk in range(RPT // ZB):
        pltpu.sync_copy(zbuf, acc_sh.at[pl.ds(s * RPT + kk * ZB, ZB)])
    plsc.subcore_barrier()

    def chunk(ch, carry):
        base = s * EPW + ch * LK
        pltpu.sync_copy(src_ref.at[pl.ds(base, LK)], src_v)
        pltpu.sync_copy(dst_ref.at[pl.ds(base, LK)], dst_v)
        pltpu.sync_copy(w_ref.at[pl.ds(base, LK)], w_v)

        def offb(g, cy):
            src_v[pl.ds(g * 16, 16)] = src_v[pl.ds(g * 16, 16)] + coff
            return cy
        lax.fori_loop(0, LK // 16, offb, None)

        pltpu.async_copy(sup_ref.at[src_v], rows_v, sem).wait()

        def scale_group(g, cy):
            wv = w_v[pl.ds(g * 16, 16)]
            def scale_lane(l, cz):
                idx = (jnp.zeros((16,), jnp.int32) + l).reshape(16, 1)
                ws = lax.gather(
                    wv, idx,
                    lax.GatherDimensionNumbers(
                        offset_dims=(), collapsed_slice_dims=(0,),
                        start_index_map=(0,)),
                    (1,), mode=lax.GatherScatterMode.PROMISE_IN_BOUNDS)
                i = g * 16 + l
                for j in range(H // 16):
                    rows_v[i, pl.ds(j * 16, 16)] = (
                        rows_v[i, pl.ds(j * 16, 16)] * ws)
                return cz
            lax.fori_loop(0, 16, scale_lane, None)
            return cy
        lax.fori_loop(0, LK // 16, scale_group, None)

        pltpu.sync_copy(rows_v, acc_sh.at[dst_v], add=True)
        return carry
    lax.fori_loop(0, NCH, chunk, None)
    plsc.subcore_barrier()

    pltpu.sync_copy(acc_sh.at[pl.ds(s * RPT, RPT)],
                    out_ref.at[c, pl.ds(s * RPT, RPT)])


def _segment_sum(support2n, src, dst, ew):
    mesh = plsc.VectorSubcoreMesh(core_axis_name="c", subcore_axis_name="s")
    f = functools.partial(
        pl.kernel, mesh=mesh,
        out_type=jax.ShapeDtypeStruct((2, NPAD, H), jnp.float32),
        scratch_types=[
            pltpu.VMEM((LK,), jnp.int32),
            pltpu.VMEM((LK,), jnp.int32),
            pltpu.VMEM((LK,), jnp.float32),
            pltpu.VMEM((LK, H), jnp.float32),
            pltpu.VMEM((ZB, H), jnp.float32),
            pltpu.VMEM_SHARED((NPAD, H), jnp.float32),
            pltpu.SemaphoreType.DMA,
        ],
    )(_seg_body)
    return f(support2n, src, dst, ew)


def _post_body(agg_ref, y_ref, b1_ref, lw1_ref, lb1_ref, b2_ref, lw2_ref,
               lb2_ref, c1w_ref, c1b_ref, c2w_ref, c2b_ref,
               z_ref, o_ref, opad_ref, z1n_ref, z2n_ref,
               g1_ref, g2_ref, st_ref):
    i = pl.program_id(0)
    h1 = jnp.maximum(agg_ref[0] + b1_ref[...], 0.0)
    z1 = jnp.dot(h1, lw1_ref[...], preferred_element_type=jnp.float32) \
        + lb1_ref[...]
    h2 = jnp.maximum(agg_ref[1] + b2_ref[...], 0.0)
    z2 = jnp.dot(h2, lw2_ref[...], preferred_element_type=jnp.float32) \
        + lb2_ref[...]
    z = (z1 + z2) * 0.5
    z_ref[...] = z

    t = jnp.dot(z, c1w_ref[...], preferred_element_type=jnp.float32) \
        + c1b_ref[...]
    logits = jnp.dot(t, c2w_ref[...], preferred_element_type=jnp.float32) \
        + c2b_ref[...]
    m = jnp.max(logits, axis=1, keepdims=True)
    sh = logits - m
    lse = jnp.log(jnp.sum(jnp.exp(sh), axis=1, keepdims=True))
    o = sh - lse
    o_ref[...] = o
    labf = y_ref[...].astype(jnp.float32)
    opad_ref[...] = jnp.concatenate(
        [o, labf, jnp.zeros((RB, CPAD - C - 1), jnp.float32)], axis=1)

    n1 = jnp.clip(jnp.sqrt(jnp.sum(z1 * z1, axis=1, keepdims=True)),
                  1e-12, None)
    n2 = jnp.clip(jnp.sqrt(jnp.sum(z2 * z2, axis=1, keepdims=True)),
                  1e-12, None)
    z1n = z1 / n1
    z2n = z2 / n2
    z1n_ref[...] = z1n
    z2n_ref[...] = z2n

    g1p = lax.dot_general(z1n, z1n, (((0,), (0,)), ((), ())),
                          preferred_element_type=jnp.float32)
    g2p = lax.dot_general(z2n, z2n, (((0,), (0,)), ((), ())),
                          preferred_element_type=jnp.float32)
    d = jnp.sum(z1n * z2n, axis=1)
    sd1 = jnp.sum((d - 1.0) ** 2)
    sd2 = jnp.sum(d * d)
    lane = lax.broadcasted_iota(jnp.int32, (1, 128), 1)
    stp = jnp.where(lane == 0, sd1, 0.0) + jnp.where(lane == 1, sd2, 0.0)

    @pl.when(i == 0)
    def _init():
        g1_ref[...] = g1p
        g2_ref[...] = g2p
        st_ref[...] = stp

    @pl.when(i != 0)
    def _acc():
        g1_ref[...] += g1p
        g2_ref[...] += g2p
        st_ref[...] += stp


def _post(agg, y, b1, lw1, lb1, b2, lw2, lb2, c1w, c1b, c2w, c2b):
    row = lambda v: v.reshape(1, -1)
    cst = lambda shp: pl.BlockSpec(shp, lambda i: (0, 0))
    return pl.pallas_call(
        _post_body,
        grid=(GRID,),
        in_specs=[
            pl.BlockSpec((2, RB, H), lambda i: (0, i, 0)),
            pl.BlockSpec((RB, 1), lambda i: (i, 0)),
            cst((1, H)), cst((H, H)), cst((1, H)),
            cst((1, H)), cst((H, H)), cst((1, H)),
            cst((H, H)), cst((1, H)), cst((H, C)), cst((1, C)),
        ],
        out_specs=[
            pl.BlockSpec((RB, H), lambda i: (i, 0)),
            pl.BlockSpec((RB, C), lambda i: (i, 0)),
            pl.BlockSpec((RB, CPAD), lambda i: (i, 0)),
            pl.BlockSpec((RB, H), lambda i: (i, 0)),
            pl.BlockSpec((RB, H), lambda i: (i, 0)),
            cst((H, H)), cst((H, H)), cst((1, 128)),
        ],
        out_shape=[
            jax.ShapeDtypeStruct((N, H), jnp.float32),
            jax.ShapeDtypeStruct((N, C), jnp.float32),
            jax.ShapeDtypeStruct((N, CPAD), jnp.float32),
            jax.ShapeDtypeStruct((N, H), jnp.float32),
            jax.ShapeDtypeStruct((N, H), jnp.float32),
            jax.ShapeDtypeStruct((H, H), jnp.float32),
            jax.ShapeDtypeStruct((H, H), jnp.float32),
            jax.ShapeDtypeStruct((1, 128), jnp.float32),
        ],
    )(agg, y.reshape(N, 1), row(b1), lw1, row(lb1), row(b2), lw2, row(lb2),
      c1w, row(c1b), c2w, row(c2b))


def _gather_body(z1n_ref, z2n_ref, opad_ref, tid_ref,
                 h1_ref, h2_ref, rows_ref,
                 tid_v, buf, buf64, sem):
    c = lax.axis_index("c")
    s = lax.axis_index("s")
    wid = s * NC + c
    base = wid * RPW
    pltpu.sync_copy(tid_ref.at[pl.ds(base, RPW)], tid_v)

    pltpu.async_copy(z1n_ref.at[tid_v], buf, sem).wait()
    pltpu.sync_copy(buf, h1_ref.at[pl.ds(base, RPW)])
    pltpu.async_copy(z2n_ref.at[tid_v], buf, sem).wait()
    pltpu.sync_copy(buf, h2_ref.at[pl.ds(base, RPW)])
    pltpu.async_copy(opad_ref.at[tid_v], buf64, sem).wait()
    pltpu.sync_copy(buf64, rows_ref.at[pl.ds(base, RPW)])


def _gather_train(z1n, z2n, opad, tid_pad):
    mesh = plsc.VectorSubcoreMesh(core_axis_name="c", subcore_axis_name="s")
    f = functools.partial(
        pl.kernel, mesh=mesh,
        out_type=(
            jax.ShapeDtypeStruct((NTP, H), jnp.float32),
            jax.ShapeDtypeStruct((NTP, H), jnp.float32),
            jax.ShapeDtypeStruct((NTP, CPAD), jnp.float32),
        ),
        scratch_types=[
            pltpu.VMEM((RPW,), jnp.int32),
            pltpu.VMEM((RPW, H), jnp.float32),
            pltpu.VMEM((RPW, CPAD), jnp.float32),
            pltpu.SemaphoreType.DMA,
        ],
    )(_gather_body)
    return f(z1n, z2n, opad, tid_pad)


def _final_body(h1_ref, h2_ref, rows_ref, laba_ref, labb_ref,
                g1_ref, g2_ref, st_ref, tot_ref):
    h1 = h1_ref[...]
    h2 = h2_ref[...]
    sim = lax.dot_general(h1, h2, (((1,), (1,)), ((), ())),
                          preferred_element_type=jnp.float32) * 2.0
    m = jnp.max(sim, axis=1, keepdims=True)
    lse = m + jnp.log(jnp.sum(jnp.exp(sim - m), axis=1, keepdims=True))
    logprob = sim - lse
    laba = laba_ref[...]
    labb = labb_ref[...]
    mask = (laba == labb).astype(jnp.float32)
    cl = -jnp.mean(jnp.sum(logprob * mask, axis=1)
                   / jnp.sum(mask, axis=1))

    lane = lax.broadcasted_iota(jnp.int32, (NT, CPAD), 1)
    onehot = (lane == laba).astype(jnp.float32)
    nll = -jnp.sum(rows_ref[...] * onehot) / NT

    tr = jnp.sum(g1_ref[...] * g2_ref[...])
    sd1 = st_ref[0, 0]
    sd2 = st_ref[0, 1]
    bt = sd1 / N + (tr - sd2) / (N * (N - 1))

    total = nll + 0.1 * bt + cl
    lane1 = lax.broadcasted_iota(jnp.int32, (1, 128), 1)
    tot_ref[...] = jnp.where(lane1 == 0, total, 0.0)


def _final(h1, h2, rows, laba, labb, g1, g2, st):
    full = lambda shp: pl.BlockSpec(shp, lambda: (0, 0))
    return pl.pallas_call(
        _final_body,
        grid=(),
        in_specs=[
            full((NT, H)), full((NT, H)), full((NT, CPAD)),
            full((NT, 1)), full((1, NT)),
            full((H, H)), full((H, H)), full((1, 128)),
        ],
        out_specs=full((1, 128)),
        out_shape=jax.ShapeDtypeStruct((1, 128), jnp.float32),
    )(h1, h2, rows, laba, labb, g1, g2, st)


def kernel(x, edge_index, edge_weight, y, train_id,
           W1, b1, lw1, lb1, W2, b2, lw2, lb2, c1w, c1b, c2w, c2b):
    src = edge_index[0]
    dst = edge_index[1]

    support = _support(x, W1, W2)
    agg = _segment_sum(support.reshape(2 * N, H), src, dst, edge_weight)
    z, o, opad, z1n, z2n, g1, g2, st = _post(
        agg, y, b1, lw1, lb1, b2, lw2, lb2, c1w, c1b, c2w, c2b)

    tid_pad = jnp.pad(train_id, (0, NTP - NT))
    h1, h2, rows = _gather_train(z1n, z2n, opad, tid_pad)
    h1 = h1[:NT]
    h2 = h2[:NT]
    rows = rows[:NT]
    labs = rows[:, C].astype(jnp.int32)

    tot = _final(h1, h2, rows, labs.reshape(NT, 1), labs.reshape(1, NT),
                 g1, g2, st)
    return (z, o, tot[0, 0])

# --- scband reference (transcript-rebuilt; emitter-appended) ---
"""Pipeline reference for scband-cgcn-27986006901064 (READ-ONLY COPY).

The authoritative reference and input builder live on the scoring server;
editing this copy changes nothing except your own understanding.
"""

import jax, jax.numpy as jnp
import numpy as np

N = 10000
E = 320000
F_IN = 128
H = 128
C = 40
NT = 1000


def _init(key, shape, fan):
    stdv = 1.0 / np.sqrt(fan)
    return jax.random.uniform(key, shape, jnp.float32, -stdv, stdv)


def setup_inputs(seed: int = 0) -> dict:
    key = jax.random.key(seed)
    ks = jax.random.split(key, 24)
    inp = {}
    inp['x'] = jax.random.normal(ks[0], (N, F_IN), jnp.float32)
    inp['edge_index'] = jax.random.randint(ks[1], (2, E), 0, N, dtype=jnp.int32)
    inp['edge_weight'] = jax.random.uniform(ks[2], (E,), jnp.float32)
    inp['y'] = jax.random.randint(ks[3], (N,), 0, C, dtype=jnp.int32)
    inp['train_id'] = jax.random.randint(ks[4], (NT,), 0, N, dtype=jnp.int32)
    # Mve_1: GraphConvolution (stdv = 1/sqrt(out_features)) + Linear
    inp['W1'] = _init(ks[5], (F_IN, H), H)
    inp['b1'] = _init(ks[6], (H,), H)
    inp['lw1'] = _init(ks[7], (H, H), H)
    inp['lb1'] = _init(ks[8], (H,), H)
    # Mve_2
    inp['W2'] = _init(ks[9], (F_IN, H), H)
    inp['b2'] = _init(ks[10], (H,), H)
    inp['lw2'] = _init(ks[11], (H, H), H)
    inp['lb2'] = _init(ks[12], (H,), H)
    # Classifier
    inp['c1w'] = _init(ks[13], (H, H), H)
    inp['c1b'] = _init(ks[14], (H,), H)
    inp['c2w'] = _init(ks[15], (H, C), H)
    inp['c2b'] = _init(ks[16], (C,), H)
    return inp


def _off_diagonal(m):
    n = m.shape[0]
    return m.reshape(-1)[:-1].reshape(n - 1, n + 1)[:, 1:].reshape(-1)


def _normalize(v):
    return v / jnp.clip(jnp.linalg.norm(v, axis=1, keepdims=True), 1e-12, None)


def reference(x, edge_index, edge_weight, y, train_id, W1, b1, lw1, lb1, W2, b2, lw2, lb2, c1w, c1b, c2w, c2b):
    src = edge_index[0]
    dst = edge_index[1]
    labels = y[train_id]

    def mv_encoder(W, b, lw, lb):
        support = x @ W
        agg = jax.ops.segment_sum(support[src] * edge_weight[:, None], dst, num_segments=N)
        h = jax.nn.relu(agg + b)
        return h @ lw + lb

    z1 = mv_encoder(W1, b1, lw1, lb1)  # dropout is identity in eval mode
    z2 = mv_encoder(W2, b2, lw2, lb2)
    z = (z1 + z2) / 2.0
    logits = (z @ c1w + c1b) @ c2w + c2b
    out = jax.nn.log_softmax(logits, axis=1)
    rows = out[train_id]
    nll = -jnp.mean(jnp.take_along_axis(rows, labels[:, None], axis=1))
    z1n = _normalize(z1)
    z2n = _normalize(z2)
    bt_c = z1n @ z2n.T
    bt_loss = jnp.mean((jnp.diagonal(bt_c) - 1.0) ** 2) + jnp.mean(_off_diagonal(bt_c) ** 2)
    # graph_contrastive_loss (undefined in source): supervised NT-Xent over train nodes
    h1 = z1n[train_id]
    h2 = z2n[train_id]
    sim = (h1 @ h2.T) / 0.5
    mask = (labels[:, None] == labels[None, :]).astype(jnp.float32)
    logprob = sim - jax.nn.logsumexp(sim, axis=1, keepdims=True)
    cl = -jnp.mean(jnp.sum(logprob * mask, axis=1) / jnp.sum(mask, axis=1))
    total = nll + 0.1 * bt_loss + cl
    return (z, out, total)

if __name__ == "__main__":
    import jax
    _d = setup_inputs()
    print(jax.jit(kernel)(*tuple(_d.values())))

</pallas_src>

<mosaic_0001>
#map = affine_map<(d0, d1) -> (0, 0)>
#map1 = affine_map<(d0, d1) -> (0)>
module attributes {stable_mosaic.version = 14 : i64} {
  func.func @_gather_body(%arg0: i32, %arg1: i32, %arg2: memref<10000x128xf32, #tpu.memory_space<hbm>>, %arg3: memref<10000x128xf32, #tpu.memory_space<hbm>>, %arg4: memref<10000x128xf32, #tpu.memory_space<hbm>>, %arg5: memref<1024xi32, #tpu.memory_space<hbm>>, %arg6: memref<1024x128xf32, #tpu.memory_space<hbm>>, %arg7: memref<1024x128xf32, #tpu.memory_space<hbm>>, %arg8: memref<1024x128xf32, #tpu.memory_space<hbm>>, %arg9: memref<32xi32, #tpu.memory_space<vmem>>, %arg10: memref<32x128xf32, #tpu.memory_space<vmem>>, %arg11: memref<32x128xf32, #tpu.memory_space<vmem>>, %arg12: memref<!tpu.dma_semaphore, #tpu.memory_space<semaphore_mem>>) attributes {dimension_semantics = [#tpu.dimension_semantics<core_parallel>, #tpu.dimension_semantics<subcore_parallel>], iteration_bounds = array<i64: 2, 16>, scalar_prefetch = 0 : i64, scratch_operands = 4 : i64, tpu.core_type = #tpu.core_type<sc_vector_subcore>, window_params = [{transform_indices = #map}, {transform_indices = #map}, {transform_indices = #map}, {transform_indices = #map1}, {transform_indices = #map}, {transform_indices = #map}, {transform_indices = #map}]} {
    %mul3A = arith.constant 2 : i32
    %mul3A_0 = arith.muli %arg1, %mul3A : i32
    %add3A = arith.addi %mul3A_0, %arg0 : i32
    %mul3A_1 = arith.constant 32 : i32
    %mul3A_2 = arith.muli %add3A, %mul3A_1 : i32
    "tpu.region"() ({
      %run_scoped3A = tpu.sem_alloc : memref<!tpu.dma_semaphore, #tpu.memory_space<semaphore_mem>>
      %dma_start3A_19 = tpu.memref_slice %arg5[%mul3A_2] : memref<1024xi32, #tpu.memory_space<hbm>> -> memref<32xi32, #tpu.memory_space<hbm>>
      %dma_start3A_20 = tpu.memref_slice %arg5[%mul3A_2] : memref<1024xi32, #tpu.memory_space<hbm>> -> memref<32xi32, #tpu.memory_space<hbm>>
      tpu.enqueue_dma source(%dma_start3A_20 : memref<32xi32, #tpu.memory_space<hbm>>) target(%arg9 : memref<32xi32, #tpu.memory_space<vmem>>) target_semaphore(%run_scoped3A : memref<!tpu.dma_semaphore, #tpu.memory_space<semaphore_mem>>)
      %dma_wait3A_21 = tpu.memref_slice %arg5[%mul3A_2] : memref<1024xi32, #tpu.memory_space<hbm>> -> memref<32xi32, #tpu.memory_space<hbm>>
      %dma_wait3A_22 = tpu.memref_slice %arg5[%mul3A_2] : memref<1024xi32, #tpu.memory_space<hbm>> -> memref<32xi32, #tpu.memory_space<hbm>>
      tpu.wait_dma2 semaphore(%run_scoped3A : memref<!tpu.dma_semaphore, #tpu.memory_space<semaphore_mem>>) src(%dma_wait3A_22 : memref<32xi32, #tpu.memory_space<hbm>>) dst(%arg9 : memref<32xi32, #tpu.memory_space<vmem>>)
      tpu.yield
    }) : () -> ()
    %dma_start3A = arith.constant 0 : i32
    %dma_start3A_3 = arith.constant 0 : i32
    %dma_start3A_4 = tpu.memref_slice %arg2[%dma_start3A, %dma_start3A_3] : memref<10000x128xf32, #tpu.memory_space<hbm>> -> memref<10000x128xf32, #tpu.memory_space<hbm>>
    tpu.enqueue_indirect_dma source(%dma_start3A_4 : memref<10000x128xf32, #tpu.memory_space<hbm>>) target(%arg10 : memref<32x128xf32, #tpu.memory_space<vmem>>) offsets(%arg9 : memref<32xi32, #tpu.memory_space<vmem>>) semaphore(%arg12 : memref<!tpu.dma_semaphore, #tpu.memory_space<semaphore_mem>>)
    %dma_wait3A = arith.constant 0 : i32
    %dma_wait3A_5 = arith.constant 0 : i32
    %dma_wait3A_6 = tpu.memref_slice %arg2[%dma_wait3A, %dma_wait3A_5] : memref<10000x128xf32, #tpu.memory_space<hbm>> -> memref<10000x128xf32, #tpu.memory_space<hbm>>
    tpu.wait_indirect_dma semaphore(%arg12 : memref<!tpu.dma_semaphore, #tpu.memory_space<semaphore_mem>>) src(%dma_wait3A_6 : memref<10000x128xf32, #tpu.memory_space<hbm>>) dst(%arg10 : memref<32x128xf32, #tpu.memory_space<vmem>>)
    "tpu.region"() ({
      %run_scoped3A = tpu.sem_alloc : memref<!tpu.dma_semaphore, #tpu.memory_space<semaphore_mem>>
      %dma_start3A_19 = arith.constant 0 : i32
      %dma_start3A_20 = tpu.memref_slice %arg6[%mul3A_2, %dma_start3A_19] : memref<1024x128xf32, #tpu.memory_space<hbm>> -> memref<32x128xf32, #tpu.memory_space<hbm>>
      %dma_start3A_21 = arith.constant 0 : i32
      %dma_start3A_22 = tpu.memref_slice %arg6[%mul3A_2, %dma_start3A_21] : memref<1024x128xf32, #tpu.memory_space<hbm>> -> memref<32x128xf32, #tpu.memory_space<hbm>>
      tpu.enqueue_dma source(%arg10 : memref<32x128xf32, #tpu.memory_space<vmem>>) target(%dma_start3A_22 : memref<32x128xf32, #tpu.memory_space<hbm>>) target_semaphore(%run_scoped3A : memref<!tpu.dma_semaphore, #tpu.memory_space<semaphore_mem>>)
      %dma_wait3A_23 = arith.constant 0 : i32
      %dma_wait3A_24 = tpu.memref_slice %arg6[%mul3A_2, %dma_wait3A_23] : memref<1024x128xf32, #tpu.memory_space<hbm>> -> memref<32x128xf32, #tpu.memory_space<hbm>>
      %dma_wait3A_25 = arith.constant 0 : i32
      %dma_wait3A_26 = tpu.memref_slice %arg6[%mul3A_2, %dma_wait3A_25] : memref<1024x128xf32, #tpu.memory_space<hbm>> -> memref<32x128xf32, #tpu.memory_space<hbm>>
      tpu.wait_dma2 semaphore(%run_scoped3A : memref<!tpu.dma_semaphore, #tpu.memory_space<semaphore_mem>>) src(%arg10 : memref<32x128xf32, #tpu.memory_space<vmem>>) dst(%dma_wait3A_26 : memref<32x128xf32, #tpu.memory_space<hbm>>)
      tpu.yield
    }) : () -> ()
    %dma_start3A_7 = arith.constant 0 : i32
    %dma_start3A_8 = arith.constant 0 : i32
    %dma_start3A_9 = tpu.memref_slice %arg3[%dma_start3A_7, %dma_start3A_8] : memref<10000x128xf32, #tpu.memory_space<hbm>> -> memref<10000x128xf32, #tpu.memory_space<hbm>>
    tpu.enqueue_indirect_dma source(%dma_start3A_9 : memref<10000x128xf32, #tpu.memory_space<hbm>>) target(%arg10 : memref<32x128xf32, #tpu.memory_space<vmem>>) offsets(%arg9 : memref<32xi32, #tpu.memory_space<vmem>>) semaphore(%arg12 : memref<!tpu.dma_semaphore, #tpu.memory_space<semaphore_mem>>)
    %dma_wait3A_10 = arith.constant 0 : i32
    %dma_wait3A_11 = arith.constant 0 : i32
    %dma_wait3A_12 = tpu.memref_slice %arg3[%dma_wait3A_10, %dma_wait3A_11] : memref<10000x128xf32, #tpu.memory_space<hbm>> -> memref<10000x128xf32, #tpu.memory_space<hbm>>
    tpu.wait_indirect_dma semaphore(%arg12 : memref<!tpu.dma_semaphore, #tpu.memory_space<semaphore_mem>>) src(%dma_wait3A_12 : memref<10000x128xf32, #tpu.memory_space<hbm>>) dst(%arg10 : memref<32x128xf32, #tpu.memory_space<vmem>>)
    "tpu.region"() ({
      %run_scoped3A = tpu.sem_alloc : memref<!tpu.dma_semaphore, #tpu.memory_space<semaphore_mem>>
      %dma_start3A_19 = arith.constant 0 : i32
      %dma_start3A_20 = tpu.memref_slice %arg7[%mul3A_2, %dma_start3A_19] : memref<1024x128xf32, #tpu.memory_space<hbm>> -> memref<32x128xf32, #tpu.memory_space<hbm>>
      %dma_start3A_21 = arith.constant 0 : i32
      %dma_start3A_22 = tpu.memref_slice %arg7[%mul3A_2, %dma_start3A_21] : memref<1024x128xf32, #tpu.memory_space<hbm>> -> memref<32x128xf32, #tpu.memory_space<hbm>>
      tpu.enqueue_dma source(%arg10 : memref<32x128xf32, #tpu.memory_space<vmem>>) target(%dma_start3A_22 : memref<32x128xf32, #tpu.memory_space<hbm>>) target_semaphore(%run_scoped3A : memref<!tpu.dma_semaphore, #tpu.memory_space<semaphore_mem>>)
      %dma_wait3A_23 = arith.constant 0 : i32
      %dma_wait3A_24 = tpu.memref_slice %arg7[%mul3A_2, %dma_wait3A_23] : memref<1024x128xf32, #tpu.memory_space<hbm>> -> memref<32x128xf32, #tpu.memory_space<hbm>>
      %dma_wait3A_25 = arith.constant 0 : i32
      %dma_wait3A_26 = tpu.memref_slice %arg7[%mul3A_2, %dma_wait3A_25] : memref<1024x128xf32, #tpu.memory_space<hbm>> -> memref<32x128xf32, #tpu.memory_space<hbm>>
      tpu.wait_dma2 semaphore(%run_scoped3A : memref<!tpu.dma_semaphore, #tpu.memory_space<semaphore_mem>>) src(%arg10 : memref<32x128xf32, #tpu.memory_space<vmem>>) dst(%dma_wait3A_26 : memref<32x128xf32, #tpu.memory_space<hbm>>)
      tpu.yield
    }) : () -> ()
    %dma_start3A_13 = arith.constant 0 : i32
    %dma_start3A_14 = arith.constant 0 : i32
    %dma_start3A_15 = tpu.memref_slice %arg4[%dma_start3A_13, %dma_start3A_14] : memref<10000x128xf32, #tpu.memory_space<hbm>> -> memref<10000x128xf32, #tpu.memory_space<hbm>>
    tpu.enqueue_indirect_dma source(%dma_start3A_15 : memref<10000x128xf32, #tpu.memory_space<hbm>>) target(%arg11 : memref<32x128xf32, #tpu.memory_space<vmem>>) offsets(%arg9 : memref<32xi32, #tpu.memory_space<vmem>>) semaphore(%arg12 : memref<!tpu.dma_semaphore, #tpu.memory_space<semaphore_mem>>)
    %dma_wait3A_16 = arith.constant 0 : i32
    %dma_wait3A_17 = arith.constant 0 : i32
    %dma_wait3A_18 = tpu.memref_slice %arg4[%dma_wait3A_16, %dma_wait3A_17] : memref<10000x128xf32, #tpu.memory_space<hbm>> -> memref<10000x128xf32, #tpu.memory_space<hbm>>
    tpu.wait_indirect_dma semaphore(%arg12 : memref<!tpu.dma_semaphore, #tpu.memory_space<semaphore_mem>>) src(%dma_wait3A_18 : memref<10000x128xf32, #tpu.memory_space<hbm>>) dst(%arg11 : memref<32x128xf32, #tpu.memory_space<vmem>>)
    "tpu.region"() ({
      %run_scoped3A = tpu.sem_alloc : memref<!tpu.dma_semaphore, #tpu.memory_space<semaphore_mem>>
      %dma_start3A_19 = arith.constant 0 : i32
      %dma_start3A_20 = tpu.memref_slice %arg8[%mul3A_2, %dma_start3A_19] : memref<1024x128xf32, #tpu.memory_space<hbm>> -> memref<32x128xf32, #tpu.memory_space<hbm>>
      %dma_start3A_21 = arith.constant 0 : i32
      %dma_start3A_22 = tpu.memref_slice %arg8[%mul3A_2, %dma_start3A_21] : memref<1024x128xf32, #tpu.memory_space<hbm>> -> memref<32x128xf32, #tpu.memory_space<hbm>>
      tpu.enqueue_dma source(%arg11 : memref<32x128xf32, #tpu.memory_space<vmem>>) target(%dma_start3A_22 : memref<32x128xf32, #tpu.memory_space<hbm>>) target_semaphore(%run_scoped3A : memref<!tpu.dma_semaphore, #tpu.memory_space<semaphore_mem>>)
      %dma_wait3A_23 = arith.constant 0 : i32
      %dma_wait3A_24 = tpu.memref_slice %arg8[%mul3A_2, %dma_wait3A_23] : memref<1024x128xf32, #tpu.memory_space<hbm>> -> memref<32x128xf32, #tpu.memory_space<hbm>>
      %dma_wait3A_25 = arith.constant 0 : i32
      %dma_wait3A_26 = tpu.memref_slice %arg8[%mul3A_2, %dma_wait3A_25] : memref<1024x128xf32, #tpu.memory_space<hbm>> -> memref<32x128xf32, #tpu.memory_space<hbm>>
      tpu.wait_dma2 semaphore(%run_scoped3A : memref<!tpu.dma_semaphore, #tpu.memory_space<semaphore_mem>>) src(%arg11 : memref<32x128xf32, #tpu.memory_space<vmem>>) dst(%dma_wait3A_26 : memref<32x128xf32, #tpu.memory_space<hbm>>)
      tpu.yield
    }) : () -> ()
    return
  }
}

#map = affine_map<(d0, d1) -> (0, 0)>
#map1 = affine_map<(d0, d1) -> (0)>
#map2 = affine_map<(d0, d1) -> (0, 0, 0)>
module attributes {stable_mosaic.version = 14 : i64} {
  func.func @_seg_body(%arg0: i32, %arg1: i32, %arg2: memref<20000x128xf32, #tpu.memory_space<hbm>>, %arg3: memref<320000xi32, #tpu.memory_space<hbm>>, %arg4: memref<320000xi32, #tpu.memory_space<hbm>>, %arg5: memref<320000xf32, #tpu.memory_space<hbm>>, %arg6: memref<2x10240x128xf32, #tpu.memory_space<hbm>>, %arg7: memref<80xi32, #tpu.memory_space<vmem>>, %arg8: memref<80xi32, #tpu.memory_space<vmem>>, %arg9: memref<80xf32, #tpu.memory_space<vmem>>, %arg10: memref<80x128xf32, #tpu.memory_space<vmem>>, %arg11: memref<128x128xf32, #tpu.memory_space<vmem>>, %arg12: memref<10240x128xf32, #tpu.memory_space<vmem_shared>>, %arg13: memref<!tpu.dma_semaphore, #tpu.memory_space<semaphore_mem>>) attributes {dimension_semantics = [#tpu.dimension_semantics<core_parallel>, #tpu.dimension_semantics<subcore_parallel>], iteration_bounds = array<i64: 2, 16>, scalar_prefetch = 0 : i64, scratch_operands = 7 : i64, tpu.core_type = #tpu.core_type<sc_vector_subcore>, window_params = [{transform_indices = #map}, {transform_indices = #map1}, {transform_indices = #map1}, {transform_indices = #map1}, {transform_indices = #map2}]} {
    %mul3A = arith.constant 10000 : i32
    %mul3A_0 = arith.muli %arg0, %mul3A : i32
    %scan3A = arith.constant 0 : i32
    %scan3A_1 = arith.constant 128 : i32
    %scan3A_2 = arith.addi %scan3A, %scan3A_1 : i32
    %scan3A_3 = arith.constant 1 : i32
    scf.for %scan3A_34 = %scan3A to %scan3A_2 step %scan3A_3  : i32 {
      %broadcast_in_dim3A = arith.constant 0.000000e+00 : f32
      %broadcast_in_dim3A_35 = vector.broadcast %broadcast_in_dim3A : f32 to vector<16xf32>
      %swap3A = arith.index_cast %scan3A_34 : i32 to index
      %swap3A_36 = arith.constant 0 : index
      %swap3A_37 = tpu.vector_load %arg11[%swap3A, %swap3A_36] {strides = array<i32>} : memref<128x128xf32, #tpu.memory_space<vmem>>, vector<1x16xf32>,
      %swap3A_38 = vector.shape_cast %swap3A_37 : vector<1x16xf32> to vector<16xf32>
      %swap3A_39 = vector.shape_cast %broadcast_in_dim3A_35 : vector<16xf32> to vector<1x16xf32>
      tpu.vector_store %arg11[%swap3A, %swap3A_36], %swap3A_39 {strides = array<i32>} : memref<128x128xf32, #tpu.memory_space<vmem>>, vector<1x16xf32>,
      %broadcast_in_dim3A_40 = arith.constant 0.000000e+00 : f32
      %broadcast_in_dim3A_41 = vector.broadcast %broadcast_in_dim3A_40 : f32 to vector<16xf32>
      %swap3A_42 = arith.index_cast %scan3A_34 : i32 to index
      %swap3A_43 = arith.constant 16 : index
      %swap3A_44 = tpu.vector_load %arg11[%swap3A_42, %swap3A_43] {strides = array<i32>} : memref<128x128xf32, #tpu.memory_space<vmem>>, vector<1x16xf32>,
      %swap3A_45 = vector.shape_cast %swap3A_44 : vector<1x16xf32> to vector<16xf32>
      %swap3A_46 = vector.shape_cast %broadcast_in_dim3A_41 : vector<16xf32> to vector<1x16xf32>
      tpu.vector_store %arg11[%swap3A_42, %swap3A_43], %swap3A_46 {strides = array<i32>} : memref<128x128xf32, #tpu.memory_space<vmem>>, vector<1x16xf32>,
      %broadcast_in_dim3A_47 = arith.constant 0.000000e+00 : f32
      %broadcast_in_dim3A_48 = vector.broadcast %broadcast_in_dim3A_47 : f32 to vector<16xf32>
      %swap3A_49 = arith.index_cast %scan3A_34 : i32 to index
      %swap3A_50 = arith.constant 32 : index
      %swap3A_51 = tpu.vector_load %arg11[%swap3A_49, %swap3A_50] {strides = array<i32>} : memref<128x128xf32, #tpu.memory_space<vmem>>, vector<1x16xf32>,
      %swap3A_52 = vector.shape_cast %swap3A_51 : vector<1x16xf32> to vector<16xf32>
      %swap3A_53 = vector.shape_cast %broadcast_in_dim3A_48 : vector<16xf32> to vector<1x16xf32>
      tpu.vector_store %arg11[%swap3A_49, %swap3A_50], %swap3A_53 {strides = array<i32>} : memref<128x128xf32, #tpu.memory_space<vmem>>, vector<1x16xf32>,
      %broadcast_in_dim3A_54 = arith.constant 0.000000e+00 : f32
      %broadcast_in_dim3A_55 = vector.broadcast %broadcast_in_dim3A_54 : f32 to vector<16xf32>
      %swap3A_56 = arith.index_cast %scan3A_34 : i32 to index
      %swap3A_57 = arith.constant 48 : index
      %swap3A_58 = tpu.vector_load %arg11[%swap3A_56, %swap3A_57] {strides = array<i32>} : memref<128x128xf32, #tpu.memory_space<vmem>>, vector<1x16xf32>,
      %swap3A_59 = vector.shape_cast %swap3A_58 : vector<1x16xf32> to vector<16xf32>
      %swap3A_60 = vector.shape_cast %broadcast_in_dim3A_55 : vector<16xf32> to vector<1x16xf32>
      tpu.vector_store %arg11[%swap3A_56, %swap3A_57], %swap3A_60 {strides = array<i32>} : memref<128x128xf32, #tpu.memory_space<vmem>>, vector<1x16xf32>,
      %broadcast_in_dim3A_61 = arith.constant 0.000000e+00 : f32
      %broadcast_in_dim3A_62 = vector.broadcast %broadcast_in_dim3A_61 : f32 to vector<16xf32>
      %swap3A_63 = arith.index_cast %scan3A_34 : i32 to index
      %swap3A_64 = arith.constant 64 : index
      %swap3A_65 = tpu.vector_load %arg11[%swap3A_63, %swap3A_64] {strides = array<i32>} : memref<128x128xf32, #tpu.memory_space<vmem>>, vector<1x16xf32>,
      %swap3A_66 = vector.shape_cast %swap3A_65 : vector<1x16xf32> to vector<16xf32>
      %swap3A_67 = vector.shape_cast %broadcast_in_dim3A_62 : vector<16xf32> to vector<1x16xf32>
      tpu.vector_store %arg11[%swap3A_63, %swap3A_64], %swap3A_67 {strides = array<i32>} : memref<128x128xf32, #tpu.memory_space<vmem>>, vector<1x16xf32>,
      %broadcast_in_dim3A_68 = arith.constant 0.000000e+00 : f32
      %broadcast_in_dim3A_69 = vector.broadcast %broadcast_in_dim3A_68 : f32 to vector<16xf32>
      %swap3A_70 = arith.index_cast %scan3A_34 : i32 to index
      %swap3A_71 = arith.constant 80 : index
      %swap3A_72 = tpu.vector_load %arg11[%swap3A_70, %swap3A_71] {strides = array<i32>} : memref<128x128xf32, #tpu.memory_space<vmem>>, vector<1x16xf32>,
      %swap3A_73 = vector.shape_cast %swap3A_72 : vector<1x16xf32> to vector<16xf32>
      %swap3A_74 = vector.shape_cast %broadcast_in_dim3A_69 : vector<16xf32> to vector<1x16xf32>
      tpu.vector_store %arg11[%swap3A_70, %swap3A_71], %swap3A_74 {strides = array<i32>} : memref<128x128xf32, #tpu.memory_space<vmem>>, vector<1x16xf32>,
      %broadcast_in_dim3A_75 = arith.constant 0.000000e+00 : f32
      %broadcast_in_dim3A_76 = vector.broadcast %broadcast_in_dim3A_75 : f32 to vector<16xf32>
      %swap3A_77 = arith.index_cast %scan3A_34 : i32 to index
      %swap3A_78 = arith.constant 96 : index
      %swap3A_79 = tpu.vector_load %arg11[%swap3A_77, %swap3A_78] {strides = array<i32>} : memref<128x128xf32, #tpu.memory_space<vmem>>, vector<1x16xf32>,
      %swap3A_80 = vector.shape_cast %swap3A_79 : vector<1x16xf32> to vector<16xf32>
      %swap3A_81 = vector.shape_cast %broadcast_in_dim3A_76 : vector<16xf32> to vector<1x16xf32>
      tpu.vector_store %arg11[%swap3A_77, %swap3A_78], %swap3A_81 {strides = array<i32>} : memref<128x128xf32, #tpu.memory_space<vmem>>, vector<1x16xf32>,
      %broadcast_in_dim3A_82 = arith.constant 0.000000e+00 : f32
      %broadcast_in_dim3A_83 = vector.broadcast %broadcast_in_dim3A_82 : f32 to vector<16xf32>
      %swap3A_84 = arith.index_cast %scan3A_34 : i32 to index
      %swap3A_85 = arith.constant 112 : index
      %swap3A_86 = tpu.vector_load %arg11[%swap3A_84, %swap3A_85] {strides = array<i32>} : memref<128x128xf32, #tpu.memory_space<vmem>>, vector<1x16xf32>,
      %swap3A_87 = vector.shape_cast %swap3A_86 : vector<1x16xf32> to vector<16xf32>
      %swap3A_88 = vector.shape_cast %broadcast_in_dim3A_83 : vector<16xf32> to vector<1x16xf32>
      tpu.vector_store %arg11[%swap3A_84, %swap3A_85], %swap3A_88 {strides = array<i32>} : memref<128x128xf32, #tpu.memory_space<vmem>>, vector<1x16xf32>,
    }
    %scan3A_4 = arith.constant 128 : i32
    %mul3A_5 = arith.constant 640 : i32
    %mul3A_6 = arith.muli %arg1, %mul3A_5 : i32
    %add3A = arith.constant 0 : i32
    %add3A_7 = arith.addi %mul3A_6, %add3A : i32
    "tpu.region"() ({
      %run_scoped3A = tpu.sem_alloc : memref<!tpu.dma_semaphore, #tpu.memory_space<semaphore_mem>>
      %dma_start3A = arith.constant 0 : i32
      %dma_start3A_34 = tpu.memref_slice %arg12[%add3A_7, %dma_start3A] : memref<10240x128xf32, #tpu.memory_space<vmem_shared>> -> memref<128x128xf32, #tpu.memory_space<vmem_shared>>
      %dma_start3A_35 = arith.constant 0 : i32
      %dma_start3A_36 = tpu.memref_slice %arg12[%add3A_7, %dma_start3A_35] : memref<10240x128xf32, #tpu.memory_space<vmem_shared>> -> memref<128x128xf32, #tpu.memory_space<vmem_shared>>
      tpu.enqueue_dma source(%arg11 : memref<128x128xf32, #tpu.memory_space<vmem>>) target(%dma_start3A_36 : memref<128x128xf32, #tpu.memory_space<vmem_shared>>) target_semaphore(%run_scoped3A : memref<!tpu.dma_semaphore, #tpu.memory_space<semaphore_mem>>)
      %dma_wait3A = arith.constant 0 : i32
      %dma_wait3A_37 = tpu.memref_slice %arg12[%add3A_7, %dma_wait3A] : memref<10240x128xf32, #tpu.memory_space<vmem_shared>> -> memref<128x128xf32, #tpu.memory_space<vmem_shared>>
      %dma_wait3A_38 = arith.constant 0 : i32
      %dma_wait3A_39 = tpu.memref_slice %arg12[%add3A_7, %dma_wait3A_38] : memref<10240x128xf32, #tpu.memory_space<vmem_shared>> -> memref<128x128xf32, #tpu.memory_space<vmem_shared>>
      tpu.wait_dma2 semaphore(%run_scoped3A : memref<!tpu.dma_semaphore, #tpu.memory_space<semaphore_mem>>) src(%arg11 : memref<128x128xf32, #tpu.memory_space<vmem>>) dst(%dma_wait3A_39 : memref<128x128xf32, #tpu.memory_space<vmem_shared>>)
      tpu.yield
    }) : () -> ()
    %mul3A_8 = arith.constant 640 : i32
    %mul3A_9 = arith.muli %arg1, %mul3A_8 : i32
    %add3A_10 = arith.constant 128 : i32
    %add3A_11 = arith.addi %mul3A_9, %add3A_10 : i32
    "tpu.region"() ({
      %run_scoped3A = tpu.sem_alloc : memref<!tpu.dma_semaphore, #tpu.memory_space<semaphore_mem>>
      %dma_start3A = arith.constant 0 : i32
      %dma_start3A_34 = tpu.memref_slice %arg12[%add3A_11, %dma_start3A] : memref<10240x128xf32, #tpu.memory_space<vmem_shared>> -> memref<128x128xf32, #tpu.memory_space<vmem_shared>>
      %dma_start3A_35 = arith.constant 0 : i32
      %dma_start3A_36 = tpu.memref_slice %arg12[%add3A_11, %dma_start3A_35] : memref<10240x128xf32, #tpu.memory_space<vmem_shared>> -> memref<128x128xf32, #tpu.memory_space<vmem_shared>>
      tpu.enqueue_dma source(%arg11 : memref<128x128xf32, #tpu.memory_space<vmem>>) target(%dma_start3A_36 : memref<128x128xf32, #tpu.memory_space<vmem_shared>>) target_semaphore(%run_scoped3A : memref<!tpu.dma_semaphore, #tpu.memory_space<semaphore_mem>>)
      %dma_wait3A = arith.constant 0 : i32
      %dma_wait3A_37 = tpu.memref_slice %arg12[%add3A_11, %dma_wait3A] : memref<10240x128xf32, #tpu.memory_space<vmem_shared>> -> memref<128x128xf32, #tpu.memory_space<vmem_shared>>
      %dma_wait3A_38 = arith.constant 0 : i32
      %dma_wait3A_39 = tpu.memref_slice %arg12[%add3A_11, %dma_wait3A_38] : memref<10240x128xf32, #tpu.memory_space<vmem_shared>> -> memref<128x128xf32, #tpu.memory_space<vmem_shared>>
      tpu.wait_dma2 semaphore(%run_scoped3A : memref<!tpu.dma_semaphore, #tpu.memory_space<semaphore_mem>>) src(%arg11 : memref<128x128xf32, #tpu.memory_space<vmem>>) dst(%dma_wait3A_39 : memref<128x128xf32, #tpu.memory_space<vmem_shared>>)
      tpu.yield
    }) : () -> ()
    %mul3A_12 = arith.constant 640 : i32
    %mul3A_13 = arith.muli %arg1, %mul3A_12 : i32
    %add3A_14 = arith.constant 256 : i32
    %add3A_15 = arith.addi %mul3A_13, %add3A_14 : i32
    "tpu.region"() ({
      %run_scoped3A = tpu.sem_alloc : memref<!tpu.dma_semaphore, #tpu.memory_space<semaphore_mem>>
      %dma_start3A = arith.constant 0 : i32
      %dma_start3A_34 = tpu.memref_slice %arg12[%add3A_15, %dma_start3A] : memref<10240x128xf32, #tpu.memory_space<vmem_shared>> -> memref<128x128xf32, #tpu.memory_space<vmem_shared>>
      %dma_start3A_35 = arith.constant 0 : i32
      %dma_start3A_36 = tpu.memref_slice %arg12[%add3A_15, %dma_start3A_35] : memref<10240x128xf32, #tpu.memory_space<vmem_shared>> -> memref<128x128xf32, #tpu.memory_space<vmem_shared>>
      tpu.enqueue_dma source(%arg11 : memref<128x128xf32, #tpu.memory_space<vmem>>) target(%dma_start3A_36 : memref<128x128xf32, #tpu.memory_space<vmem_shared>>) target_semaphore(%run_scoped3A : memref<!tpu.dma_semaphore, #tpu.memory_space<semaphore_mem>>)
      %dma_wait3A = arith.constant 0 : i32
      %dma_wait3A_37 = tpu.memref_slice %arg12[%add3A_15, %dma_wait3A] : memref<10240x128xf32, #tpu.memory_space<vmem_shared>> -> memref<128x128xf32, #tpu.memory_space<vmem_shared>>
      %dma_wait3A_38 = arith.constant 0 : i32
      %dma_wait3A_39 = tpu.memref_slice %arg12[%add3A_15, %dma_wait3A_38] : memref<10240x128xf32, #tpu.memory_space<vmem_shared>> -> memref<128x128xf32, #tpu.memory_space<vmem_shared>>
      tpu.wait_dma2 semaphore(%run_scoped3A : memref<!tpu.dma_semaphore, #tpu.memory_space<semaphore_mem>>) src(%arg11 : memref<128x128xf32, #tpu.memory_space<vmem>>) dst(%dma_wait3A_39 : memref<128x128xf32, #tpu.memory_space<vmem_shared>>)
      tpu.yield
    }) : () -> ()
    %mul3A_16 = arith.constant 640 : i32
    %mul3A_17 = arith.muli %arg1, %mul3A_16 : i32
    %add3A_18 = arith.constant 384 : i32
    %add3A_19 = arith.addi %mul3A_17, %add3A_18 : i32
    "tpu.region"() ({
      %run_scoped3A = tpu.sem_alloc : memref<!tpu.dma_semaphore, #tpu.memory_space<semaphore_mem>>
      %dma_start3A = arith.constant 0 : i32
      %dma_start3A_34 = tpu.memref_slice %arg12[%add3A_19, %dma_start3A] : memref<10240x128xf32, #tpu.memory_space<vmem_shared>> -> memref<128x128xf32, #tpu.memory_space<vmem_shared>>
      %dma_start3A_35 = arith.constant 0 : i32
      %dma_start3A_36 = tpu.memref_slice %arg12[%add3A_19, %dma_start3A_35] : memref<10240x128xf32, #tpu.memory_space<vmem_shared>> -> memref<128x128xf32, #tpu.memory_space<vmem_shared>>
      tpu.enqueue_dma source(%arg11 : memref<128x128xf32, #tpu.memory_space<vmem>>) target(%dma_start3A_36 : memref<128x128xf32, #tpu.memory_space<vmem_shared>>) target_semaphore(%run_scoped3A : memref<!tpu.dma_semaphore, #tpu.memory_space<semaphore_mem>>)
      %dma_wait3A = arith.constant 0 : i32
      %dma_wait3A_37 = tpu.memref_slice %arg12[%add3A_19, %dma_wait3A] : memref<10240x128xf32, #tpu.memory_space<vmem_shared>> -> memref<128x128xf32, #tpu.memory_space<vmem_shared>>
      %dma_wait3A_38 = arith.constant 0 : i32
      %dma_wait3A_39 = tpu.memref_slice %arg12[%add3A_19, %dma_wait3A_38] : memref<10240x128xf32, #tpu.memory_space<vmem_shared>> -> memref<128x128xf32, #tpu.memory_space<vmem_shared>>
      tpu.wait_dma2 semaphore(%run_scoped3A : memref<!tpu.dma_semaphore, #tpu.memory_space<semaphore_mem>>) src(%arg11 : memref<128x128xf32, #tpu.memory_space<vmem>>) dst(%dma_wait3A_39 : memref<128x128xf32, #tpu.memory_space<vmem_shared>>)
      tpu.yield
    }) : () -> ()
    %mul3A_20 = arith.constant 640 : i32
    %mul3A_21 = arith.muli %arg1, %mul3A_20 : i32
    %add3A_22 = arith.constant 512 : i32
    %add3A_23 = arith.addi %mul3A_21, %add3A_22 : i32
    "tpu.region"() ({
      %run_scoped3A = tpu.sem_alloc : memref<!tpu.dma_semaphore, #tpu.memory_space<semaphore_mem>>
      %dma_start3A = arith.constant 0 : i32
      %dma_start3A_34 = tpu.memref_slice %arg12[%add3A_23, %dma_start3A] : memref<10240x128xf32, #tpu.memory_space<vmem_shared>> -> memref<128x128xf32, #tpu.memory_space<vmem_shared>>
      %dma_start3A_35 = arith.constant 0 : i32
      %dma_start3A_36 = tpu.memref_slice %arg12[%add3A_23, %dma_start3A_35] : memref<10240x128xf32, #tpu.memory_space<vmem_shared>> -> memref<128x128xf32, #tpu.memory_space<vmem_shared>>
      tpu.enqueue_dma source(%arg11 : memref<128x128xf32, #tpu.memory_space<vmem>>) target(%dma_start3A_36 : memref<128x128xf32, #tpu.memory_space<vmem_shared>>) target_semaphore(%run_scoped3A : memref<!tpu.dma_semaphore, #tpu.memory_space<semaphore_mem>>)
      %dma_wait3A = arith.constant 0 : i32
      %dma_wait3A_37 = tpu.memref_slice %arg12[%add3A_23, %dma_wait3A] : memref<10240x128xf32, #tpu.memory_space<vmem_shared>> -> memref<128x128xf32, #tpu.memory_space<vmem_shared>>
      %dma_wait3A_38 = arith.constant 0 : i32
      %dma_wait3A_39 = tpu.memref_slice %arg12[%add3A_23, %dma_wait3A_38] : memref<10240x128xf32, #tpu.memory_space<vmem_shared>> -> memref<128x128xf32, #tpu.memory_space<vmem_shared>>
      tpu.wait_dma2 semaphore(%run_scoped3A : memref<!tpu.dma_semaphore, #tpu.memory_space<semaphore_mem>>) src(%arg11 : memref<128x128xf32, #tpu.memory_space<vmem>>) dst(%dma_wait3A_39 : memref<128x128xf32, #tpu.memory_space<vmem_shared>>)
      tpu.yield
    }) : () -> ()
    %barrier3A = arith.constant 0 : index
    tpu.barrier barrier_id(%barrier3A)
    %scan3A_24 = arith.constant 0 : i32
    %scan3A_25 = arith.constant 250 : i32
    %scan3A_26 = arith.addi %scan3A_24, %scan3A_25 : i32
    %scan3A_27 = arith.constant 1 : i32
    scf.for %scan3A_34 = %scan3A_24 to %scan3A_26 step %scan3A_27  : i32 {
      %mul3A_35 = arith.constant 20000 : i32
      %mul3A_36 = arith.muli %arg1, %mul3A_35 : i32
      %mul3A_37 = arith.constant 80 : i32
      %mul3A_38 = arith.muli %scan3A_34, %mul3A_37 : i32
      %add3A_39 = arith.addi %mul3A_36, %mul3A_38 : i32
      "tpu.region"() ({
        %run_scoped3A = tpu.sem_alloc : memref<!tpu.dma_semaphore, #tpu.memory_space<semaphore_mem>>
        %dma_start3A_54 = tpu.memref_slice %arg3[%add3A_39] : memref<320000xi32, #tpu.memory_space<hbm>> -> memref<80xi32, #tpu.memory_space<hbm>>
        %dma_start3A_55 = tpu.memref_slice %arg3[%add3A_39] : memref<320000xi32, #tpu.memory_space<hbm>> -> memref<80xi32, #tpu.memory_space<hbm>>
        tpu.enqueue_dma source(%dma_start3A_55 : memref<80xi32, #tpu.memory_space<hbm>>) target(%arg7 : memref<80xi32, #tpu.memory_space<vmem>>) target_semaphore(%run_scoped3A : memref<!tpu.dma_semaphore, #tpu.memory_space<semaphore_mem>>)
        %dma_wait3A_56 = tpu.memref_slice %arg3[%add3A_39] : memref<320000xi32, #tpu.memory_space<hbm>> -> memref<80xi32, #tpu.memory_space<hbm>>
        %dma_wait3A_57 = tpu.memref_slice %arg3[%add3A_39] : memref<320000xi32, #tpu.memory_space<hbm>> -> memref<80xi32, #tpu.memory_space<hbm>>
        tpu.wait_dma2 semaphore(%run_scoped3A : memref<!tpu.dma_semaphore, #tpu.memory_space<semaphore_mem>>) src(%dma_wait3A_57 : memref<80xi32, #tpu.memory_space<hbm>>) dst(%arg7 : memref<80xi32, #tpu.memory_space<vmem>>)
        tpu.yield
      }) : () -> ()
      "tpu.region"() ({
        %run_scoped3A = tpu.sem_alloc : memref<!tpu.dma_semaphore, #tpu.memory_space<semaphore_mem>>
        %dma_start3A_54 = tpu.memref_slice %arg4[%add3A_39] : memref<320000xi32, #tpu.memory_space<hbm>> -> memref<80xi32, #tpu.memory_space<hbm>>
        %dma_start3A_55 = tpu.memref_slice %arg4[%add3A_39] : memref<320000xi32, #tpu.memory_space<hbm>> -> memref<80xi32, #tpu.memory_space<hbm>>
        tpu.enqueue_dma source(%dma_start3A_55 : memref<80xi32, #tpu.memory_space<hbm>>) target(%arg8 : memref<80xi32, #tpu.memory_space<vmem>>) target_semaphore(%run_scoped3A : memref<!tpu.dma_semaphore, #tpu.memory_space<semaphore_mem>>)
        %dma_wait3A_56 = tpu.memref_slice %arg4[%add3A_39] : memref<320000xi32, #tpu.memory_space<hbm>> -> memref<80xi32, #tpu.memory_space<hbm>>
        %dma_wait3A_57 = tpu.memref_slice %arg4[%add3A_39] : memref<320000xi32, #tpu.memory_space<hbm>> -> memref<80xi32, #tpu.memory_space<hbm>>
        tpu.wait_dma2 semaphore(%run_scoped3A : memref<!tpu.dma_semaphore, #tpu.memory_space<semaphore_mem>>) src(%dma_wait3A_57 : memref<80xi32, #tpu.memory_space<hbm>>) dst(%arg8 : memref<80xi32, #tpu.memory_space<vmem>>)
        tpu.yield
      }) : () -> ()
      "tpu.region"() ({
        %run_scoped3A = tpu.sem_alloc : memref<!tpu.dma_semaphore, #tpu.memory_space<semaphore_mem>>
        %dma_start3A_54 = tpu.memref_slice %arg5[%add3A_39] : memref<320000xf32, #tpu.memory_space<hbm>> -> memref<80xf32, #tpu.memory_space<hbm>>
        %dma_start3A_55 = tpu.memref_slice %arg5[%add3A_39] : memref<320000xf32, #tpu.memory_space<hbm>> -> memref<80xf32, #tpu.memory_space<hbm>>
        tpu.enqueue_dma source(%dma_start3A_55 : memref<80xf32, #tpu.memory_space<hbm>>) target(%arg9 : memref<80xf32, #tpu.memory_space<vmem>>) target_semaphore(%run_scoped3A : memref<!tpu.dma_semaphore, #tpu.memory_space<semaphore_mem>>)
        %dma_wait3A_56 = tpu.memref_slice %arg5[%add3A_39] : memref<320000xf32, #tpu.memory_space<hbm>> -> memref<80xf32, #tpu.memory_space<hbm>>
        %dma_wait3A_57 = tpu.memref_slice %arg5[%add3A_39] : memref<320000xf32, #tpu.memory_space<hbm>> -> memref<80xf32, #tpu.memory_space<hbm>>
        tpu.wait_dma2 semaphore(%run_scoped3A : memref<!tpu.dma_semaphore, #tpu.memory_space<semaphore_mem>>) src(%dma_wait3A_57 : memref<80xf32, #tpu.memory_space<hbm>>) dst(%arg9 : memref<80xf32, #tpu.memory_space<vmem>>)
        tpu.yield
      }) : () -> ()
      %scan3A_40 = arith.constant 0 : i32
      %scan3A_41 = arith.constant 5 : i32
      %scan3A_42 = arith.addi %scan3A_40, %scan3A_41 : i32
      %scan3A_43 = arith.constant 1 : i32
      scf.for %scan3A_54 = %scan3A_40 to %scan3A_42 step %scan3A_43  : i32 {
        %mul3A_55 = arith.constant 16 : i32
        %mul3A_56 = arith.muli %scan3A_54, %mul3A_55 : i32
        %get3A = arith.index_cast %mul3A_56 : i32 to index
        %get3A_57 = tpu.vector_load %arg7[%get3A] {strides = array<i32>} : memref<80xi32, #tpu.memory_space<vmem>>, vector<16xi32>,
        %get3A_58 = vector.shape_cast %get3A_57 : vector<16xi32> to vector<16xi32>
        %add3A_59 = vector.broadcast %mul3A_0 : i32 to vector<16xi32>
        %add3A_60 = arith.addi %get3A_58, %add3A_59 : vector<16xi32>
        %mul3A_61 = arith.constant 16 : i32
        %mul3A_62 = arith.muli %scan3A_54, %mul3A_61 : i32
        %swap3A = arith.index_cast %mul3A_62 : i32 to index
        %swap3A_63 = tpu.vector_load %arg7[%swap3A] {strides = array<i32>} : memref<80xi32, #tpu.memory_space<vmem>>, vector<16xi32>,
        %swap3A_64 = vector.shape_cast %swap3A_63 : vector<16xi32> to vector<16xi32>
        %swap3A_65 = vector.shape_cast %add3A_60 : vector<16xi32> to vector<16xi32>
        tpu.vector_store %arg7[%swap3A], %swap3A_65 {strides = array<i32>} : memref<80xi32, #tpu.memory_space<vmem>>, vector<16xi32>,
      }
      %scan3A_44 = arith.constant 5 : i32
      %dma_start3A = arith.constant 0 : i32
      %dma_start3A_45 = arith.constant 0 : i32
      %dma_start3A_46 = tpu.memref_slice %arg2[%dma_start3A, %dma_start3A_45] : memref<20000x128xf32, #tpu.memory_space<hbm>> -> memref<20000x128xf32, #tpu.memory_space<hbm>>
      tpu.enqueue_indirect_dma source(%dma_start3A_46 : memref<20000x128xf32, #tpu.memory_space<hbm>>) target(%arg10 : memref<80x128xf32, #tpu.memory_space<vmem>>) offsets(%arg7 : memref<80xi32, #tpu.memory_space<vmem>>) semaphore(%arg13 : memref<!tpu.dma_semaphore, #tpu.memory_space<semaphore_mem>>)
      %dma_wait3A = arith.constant 0 : i32
      %dma_wait3A_47 = arith.constant 0 : i32
      %dma_wait3A_48 = tpu.memref_slice %arg2[%dma_wait3A, %dma_wait3A_47] : memref<20000x128xf32, #tpu.memory_space<hbm>> -> memref<20000x128xf32, #tpu.memory_space<hbm>>
      tpu.wait_indirect_dma semaphore(%arg13 : memref<!tpu.dma_semaphore, #tpu.memory_space<semaphore_mem>>) src(%dma_wait3A_48 : memref<20000x128xf32, #tpu.memory_space<hbm>>) dst(%arg10 : memref<80x128xf32, #tpu.memory_space<vmem>>)
      %scan3A_49 = arith.constant 0 : i32
      %scan3A_50 = arith.constant 5 : i32
      %scan3A_51 = arith.addi %scan3A_49, %scan3A_50 : i32
      %scan3A_52 = arith.constant 1 : i32
      scf.for %scan3A_54 = %scan3A_49 to %scan3A_51 step %scan3A_52  : i32 {
        %mul3A_55 = arith.constant 16 : i32
        %mul3A_56 = arith.muli %scan3A_54, %mul3A_55 : i32
        %get3A = arith.index_cast %mul3A_56 : i32 to index
        %get3A_57 = tpu.vector_load %arg9[%get3A] {strides = array<i32>} : memref<80xf32, #tpu.memory_space<vmem>>, vector<16xf32>,
        %get3A_58 = vector.shape_cast %get3A_57 : vector<16xf32> to vector<16xf32>
        %scan3A_59 = arith.constant 0 : i32
        %scan3A_60 = arith.constant 16 : i32
        %scan3A_61 = arith.addi %scan3A_59, %scan3A_60 : i32
        %scan3A_62 = arith.constant 1 : i32
        scf.for %scan3A_64 = %scan3A_59 to %scan3A_61 step %scan3A_62  : i32 {
          %broadcast_in_dim3A = arith.constant 0 : i32
          %broadcast_in_dim3A_65 = vector.broadcast %broadcast_in_dim3A : i32 to vector<16xi32>
          %add3A_66 = vector.broadcast %scan3A_64 : i32 to vector<16xi32>
          %add3A_67 = arith.addi %broadcast_in_dim3A_65, %add3A_66 : vector<16xi32>
          %reshape3A = vector.shape_cast %add3A_67 : vector<16xi32> to vector<16x1xi32>
          %gather3A = vector.shape_cast %reshape3A : vector<16x1xi32> to vector<16xi32>
          %gather3A_68 = tpu.dynamic_gather %get3A_58[%gather3A] in [0] : vector<16xf32>, vector<16xi32> -> vector<16xf32>
          %mul3A_69 = arith.constant 16 : i32
          %mul3A_70 = arith.muli %scan3A_54, %mul3A_69 : i32
          %add3A_71 = arith.addi %mul3A_70, %scan3A_64 : i32
          %get3A_72 = arith.index_cast %add3A_71 : i32 to index
          %get3A_73 = arith.constant 0 : index
          %get3A_74 = tpu.vector_load %arg10[%get3A_72, %get3A_73] {strides = array<i32>} : memref<80x128xf32, #tpu.memory_space<vmem>>, vector<1x16xf32>,
          %get3A_75 = vector.shape_cast %get3A_74 : vector<1x16xf32> to vector<16xf32>
          %mul3A_76 = arith.mulf %get3A_75, %gather3A_68 : vector<16xf32>
          %swap3A = arith.index_cast %add3A_71 : i32 to index
          %swap3A_77 = arith.constant 0 : index
          %swap3A_78 = tpu.vector_load %arg10[%swap3A, %swap3A_77] {strides = array<i32>} : memref<80x128xf32, #tpu.memory_space<vmem>>, vector<1x16xf32>,
          %swap3A_79 = vector.shape_cast %swap3A_78 : vector<1x16xf32> to vector<16xf32>
          %swap3A_80 = vector.shape_cast %mul3A_76 : vector<16xf32> to vector<1x16xf32>
          tpu.vector_store %arg10[%swap3A, %swap3A_77], %swap3A_80 {strides = array<i32>} : memref<80x128xf32, #tpu.memory_space<vmem>>, vector<1x16xf32>,
          %get3A_81 = arith.index_cast %add3A_71 : i32 to index
          %get3A_82 = arith.constant 16 : index
          %get3A_83 = tpu.vector_load %arg10[%get3A_81, %get3A_82] {strides = array<i32>} : memref<80x128xf32, #tpu.memory_space<vmem>>, vector<1x16xf32>,
          %get3A_84 = vector.shape_cast %get3A_83 : vector<1x16xf32> to vector<16xf32>
          %mul3A_85 = arith.mulf %get3A_84, %gather3A_68 : vector<16xf32>
          %swap3A_86 = arith.index_cast %add3A_71 : i32 to index
          %swap3A_87 = arith.constant 16 : index
          %swap3A_88 = tpu.vector_load %arg10[%swap3A_86, %swap3A_87] {strides = array<i32>} : memref<80x128xf32, #tpu.memory_space<vmem>>, vector<1x16xf32>,
          %swap3A_89 = vector.shape_cast %swap3A_88 : vector<1x16xf32> to vector<16xf32>
          %swap3A_90 = vector.shape_cast %mul3A_85 : vector<16xf32> to vector<1x16xf32>
          tpu.vector_store %arg10[%swap3A_86, %swap3A_87], %swap3A_90 {strides = array<i32>} : memref<80x128xf32, #tpu.memory_space<vmem>>, vector<1x16xf32>,
          %get3A_91 = arith.index_cast %add3A_71 : i32 to index
          %get3A_92 = arith.constant 32 : index
          %get3A_93 = tpu.vector_load %arg10[%get3A_91, %get3A_92] {strides = array<i32>} : memref<80x128xf32, #tpu.memory_space<vmem>>, vector<1x16xf32>,
          %get3A_94 = vector.shape_cast %get3A_93 : vector<1x16xf32> to vector<16xf32>
          %mul3A_95 = arith.mulf %get3A_94, %gather3A_68 : vector<16xf32>
          %swap3A_96 = arith.index_cast %add3A_71 : i32 to index
          %swap3A_97 = arith.constant 32 : index
          %swap3A_98 = tpu.vector_load %arg10[%swap3A_96, %swap3A_97] {strides = array<i32>} : memref<80x128xf32, #tpu.memory_space<vmem>>, vector<1x16xf32>,
          %swap3A_99 = vector.shape_cast %swap3A_98 : vector<1x16xf32> to vector<16xf32>
          %swap3A_100 = vector.shape_cast %mul3A_95 : vector<16xf32> to vector<1x16xf32>
          tpu.vector_store %arg10[%swap3A_96, %swap3A_97], %swap3A_100 {strides = array<i32>} : memref<80x128xf32, #tpu.memory_space<vmem>>, vector<1x16xf32>,
          %get3A_101 = arith.index_cast %add3A_71 : i32 to index
          %get3A_102 = arith.constant 48 : index
          %get3A_103 = tpu.vector_load %arg10[%get3A_101, %get3A_102] {strides = array<i32>} : memref<80x128xf32, #tpu.memory_space<vmem>>, vector<1x16xf32>,
          %get3A_104 = vector.shape_cast %get3A_103 : vector<1x16xf32> to vector<16xf32>
          %mul3A_105 = arith.mulf %get3A_104, %gather3A_68 : vector<16xf32>
          %swap3A_106 = arith.index_cast %add3A_71 : i32 to index
          %swap3A_107 = arith.constant 48 : index
          %swap3A_108 = tpu.vector_load %arg10[%swap3A_106, %swap3A_107] {strides = array<i32>} : memref<80x128xf32, #tpu.memory_space<vmem>>, vector<1x16xf32>,
          %swap3A_109 = vector.shape_cast %swap3A_108 : vector<1x16xf32> to vector<16xf32>
          %swap3A_110 = vector.shape_cast %mul3A_105 : vector<16xf32> to vector<1x16xf32>
          tpu.vector_store %arg10[%swap3A_106, %swap3A_107], %swap3A_110 {strides = array<i32>} : memref<80x128xf32, #tpu.memory_space<vmem>>, vector<1x16xf32>,
          %get3A_111 = arith.index_cast %add3A_71 : i32 to index
          %get3A_112 = arith.constant 64 : index
          %get3A_113 = tpu.vector_load %arg10[%get3A_111, %get3A_112] {strides = array<i32>} : memref<80x128xf32, #tpu.memory_space<vmem>>, vector<1x16xf32>,
          %get3A_114 = vector.shape_cast %get3A_113 : vector<1x16xf32> to vector<16xf32>
          %mul3A_115 = arith.mulf %get3A_114, %gather3A_68 : vector<16xf32>
          %swap3A_116 = arith.index_cast %add3A_71 : i32 to index
          %swap3A_117 = arith.constant 64 : index
          %swap3A_118 = tpu.vector_load %arg10[%swap3A_116, %swap3A_117] {strides = array<i32>} : memref<80x128xf32, #tpu.memory_space<vmem>>, vector<1x16xf32>,
          %swap3A_119 = vector.shape_cast %swap3A_118 : vector<1x16xf32> to vector<16xf32>
          %swap3A_120 = vector.shape_cast %mul3A_115 : vector<16xf32> to vector<1x16xf32>
          tpu.vector_store %arg10[%swap3A_116, %swap3A_117], %swap3A_120 {strides = array<i32>} : memref<80x128xf32, #tpu.memory_space<vmem>>, vector<1x16xf32>,
          %get3A_121 = arith.index_cast %add3A_71 : i32 to index
          %get3A_122 = arith.constant 80 : index
          %get3A_123 = tpu.vector_load %arg10[%get3A_121, %get3A_122] {strides = array<i32>} : memref<80x128xf32, #tpu.memory_space<vmem>>, vector<1x16xf32>,
          %get3A_124 = vector.shape_cast %get3A_123 : vector<1x16xf32> to vector<16xf32>
          %mul3A_125 = arith.mulf %get3A_124, %gather3A_68 : vector<16xf32>
          %swap3A_126 = arith.index_cast %add3A_71 : i32 to index
          %swap3A_127 = arith.constant 80 : index
          %swap3A_128 = tpu.vector_load %arg10[%swap3A_126, %swap3A_127] {strides = array<i32>} : memref<80x128xf32, #tpu.memory_space<vmem>>, vector<1x16xf32>,
          %swap3A_129 = vector.shape_cast %swap3A_128 : vector<1x16xf32> to vector<16xf32>
          %swap3A_130 = vector.shape_cast %mul3A_125 : vector<16xf32> to vector<1x16xf32>
          tpu.vector_store %arg10[%swap3A_126, %swap3A_127], %swap3A_130 {strides = array<i32>} : memref<80x128xf32, #tpu.memory_space<vmem>>, vector<1x16xf32>,
          %get3A_131 = arith.index_cast %add3A_71 : i32 to index
          %get3A_132 = arith.constant 96 : index
          %get3A_133 = tpu.vector_load %arg10[%get3A_131, %get3A_132] {strides = array<i32>} : memref<80x128xf32, #tpu.memory_space<vmem>>, vector<1x16xf32>,
          %get3A_134 = vector.shape_cast %get3A_133 : vector<1x16xf32> to vector<16xf32>
          %mul3A_135 = arith.mulf %get3A_134, %gather3A_68 : vector<16xf32>
          %swap3A_136 = arith.index_cast %add3A_71 : i32 to index
          %swap3A_137 = arith.constant 96 : index
          %swap3A_138 = tpu.vector_load %arg10[%swap3A_136, %swap3A_137] {strides = array<i32>} : memref<80x128xf32, #tpu.memory_space<vmem>>, vector<1x16xf32>,
          %swap3A_139 = vector.shape_cast %swap3A_138 : vector<1x16xf32> to vector<16xf32>
          %swap3A_140 = vector.shape_cast %mul3A_135 : vector<16xf32> to vector<1x16xf32>
          tpu.vector_store %arg10[%swap3A_136, %swap3A_137], %swap3A_140 {strides = array<i32>} : memref<80x128xf32, #tpu.memory_space<vmem>>, vector<1x16xf32>,
          %get3A_141 = arith.index_cast %add3A_71 : i32 to index
          %get3A_142 = arith.constant 112 : index
          %get3A_143 = tpu.vector_load %arg10[%get3A_141, %get3A_142] {strides = array<i32>} : memref<80x128xf32, #tpu.memory_space<vmem>>, vector<1x16xf32>,
          %get3A_144 = vector.shape_cast %get3A_143 : vector<1x16xf32> to vector<16xf32>
          %mul3A_145 = arith.mulf %get3A_144, %gather3A_68 : vector<16xf32>
          %swap3A_146 = arith.index_cast %add3A_71 : i32 to index
          %swap3A_147 = arith.constant 112 : index
          %swap3A_148 = tpu.vector_load %arg10[%swap3A_146, %swap3A_147] {strides = array<i32>} : memref<80x128xf32, #tpu.memory_space<vmem>>, vector<1x16xf32>,
          %swap3A_149 = vector.shape_cast %swap3A_148 : vector<1x16xf32> to vector<16xf32>
          %swap3A_150 = vector.shape_cast %mul3A_145 : vector<16xf32> to vector<1x16xf32>
          tpu.vector_store %arg10[%swap3A_146, %swap3A_147], %swap3A_150 {strides = array<i32>} : memref<80x128xf32, #tpu.memory_space<vmem>>, vector<1x16xf32>,
        }
        %scan3A_63 = arith.constant 16 : i32
      }
      %scan3A_53 = arith.constant 5 : i32
      "tpu.region"() ({
        %run_scoped3A = tpu.sem_alloc : memref<!tpu.dma_semaphore, #tpu.memory_space<semaphore_mem>>
        %dma_start3A_54 = arith.constant 0 : i32
        %dma_start3A_55 = arith.constant 0 : i32
        %dma_start3A_56 = tpu.memref_slice %arg12[%dma_start3A_54, %dma_start3A_55] : memref<10240x128xf32, #tpu.memory_space<vmem_shared>> -> memref<10240x128xf32, #tpu.memory_space<vmem_shared>>
        tpu.enqueue_indirect_dma source(%arg10 : memref<80x128xf32, #tpu.memory_space<vmem>>) target(%dma_start3A_56 : memref<10240x128xf32, #tpu.memory_space<vmem_shared>>) offsets(%arg8 : memref<80xi32, #tpu.memory_space<vmem>>) semaphore(%run_scoped3A : memref<!tpu.dma_semaphore, #tpu.memory_space<semaphore_mem>>) {add = true}
        %dma_wait3A_57 = arith.constant 0 : i32
        %dma_wait3A_58 = arith.constant 0 : i32
        %dma_wait3A_59 = tpu.memref_slice %arg12[%dma_wait3A_57, %dma_wait3A_58] : memref<10240x128xf32, #tpu.memory_space<vmem_shared>> -> memref<10240x128xf32, #tpu.memory_space<vmem_shared>>
        tpu.wait_indirect_dma semaphore(%run_scoped3A : memref<!tpu.dma_semaphore, #tpu.memory_space<semaphore_mem>>) src(%arg10 : memref<80x128xf32, #tpu.memory_space<vmem>>) dst(%dma_wait3A_59 : memref<10240x128xf32, #tpu.memory_space<vmem_shared>>)
        tpu.yield
      }) : () -> ()
    }
    %scan3A_28 = arith.constant 250 : i32
    %barrier3A_29 = arith.constant 0 : index
    tpu.barrier barrier_id(%barrier3A_29)
    %mul3A_30 = arith.constant 640 : i32
    %mul3A_31 = arith.muli %arg1, %mul3A_30 : i32
    %mul3A_32 = arith.constant 640 : i32
    %mul3A_33 = arith.muli %arg1, %mul3A_32 : i32
    "tpu.region"() ({
      %run_scoped3A = tpu.sem_alloc : memref<!tpu.dma_semaphore, #tpu.memory_space<semaphore_mem>>
      %dma_start3A = arith.constant 0 : i32
      %dma_start3A_34 = tpu.memref_slice %arg6[%arg0, %mul3A_33, %dma_start3A] : memref<2x10240x128xf32, #tpu.memory_space<hbm>> -> memref<1x640x128xf32, #tpu.memory_space<hbm>>
      %dma_start3A_35 = tpu.memref_squeeze %dma_start3A_34 : memref<1x640x128xf32, #tpu.memory_space<hbm>> -> memref<640x128xf32, #tpu.memory_space<hbm>>
      %dma_start3A_36 = arith.constant 0 : i32
      %dma_start3A_37 = tpu.memref_slice %arg12[%mul3A_31, %dma_start3A_36] : memref<10240x128xf32, #tpu.memory_space<vmem_shared>> -> memref<640x128xf32, #tpu.memory_space<vmem_shared>>
      tpu.enqueue_dma source(%dma_start3A_37 : memref<640x128xf32, #tpu.memory_space<vmem_shared>>) target(%dma_start3A_35 : memref<640x128xf32, #tpu.memory_space<hbm>>) target_semaphore(%run_scoped3A : memref<!tpu.dma_semaphore, #tpu.memory_space<semaphore_mem>>)
      %dma_wait3A = arith.constant 0 : i32
      %dma_wait3A_38 = tpu.memref_slice %arg6[%arg0, %mul3A_33, %dma_wait3A] : memref<2x10240x128xf32, #tpu.memory_space<hbm>> -> memref<1x640x128xf32, #tpu.memory_space<hbm>>
      %dma_wait3A_39 = tpu.memref_squeeze %dma_wait3A_38 : memref<1x640x128xf32, #tpu.memory_space<hbm>> -> memref<640x128xf32, #tpu.memory_space<hbm>>
      %dma_wait3A_40 = arith.constant 0 : i32
      %dma_wait3A_41 = tpu.memref_slice %arg12[%mul3A_31, %dma_wait3A_40] : memref<10240x128xf32, #tpu.memory_space<vmem_shared>> -> memref<640x128xf32, #tpu.memory_space<vmem_shared>>
      tpu.wait_dma2 semaphore(%run_scoped3A : memref<!tpu.dma_semaphore, #tpu.memory_space<semaphore_mem>>) src(%dma_wait3A_41 : memref<640x128xf32, #tpu.memory_space<vmem_shared>>) dst(%dma_wait3A_39 : memref<640x128xf32, #tpu.memory_space<hbm>>)
      tpu.yield
    }) : () -> ()
    return
  }
}

module attributes {stable_mosaic.version = 14 : i64} {
  func.func @_support_body(%arg0: i32, %arg1: memref<1000x128xf32, #tpu.memory_space<vmem>>, %arg2: memref<128x128xf32, #tpu.memory_space<vmem>>, %arg3: memref<128x128xf32, #tpu.memory_space<vmem>>, %arg4: memref<2x1000x128xf32, #tpu.memory_space<vmem>>) attributes {dimension_semantics = [#tpu.dimension_semantics<arbitrary>], iteration_bounds = array<i64: 10>, scalar_prefetch = 0 : i64, scratch_operands = 0 : i64, tpu.core_type = #tpu.core_type<tc>, window_params = [{transform_indices = @transform_0, window_bounds = array<i64: 1000, 128>}, {pipeline_mode = #tpu.pipeline_mode<synchronous>, transform_indices = @transform_1, window_bounds = array<i64: 128, 128>}, {pipeline_mode = #tpu.pipeline_mode<synchronous>, transform_indices = @transform_2, window_bounds = array<i64: 128, 128>}, {transform_indices = @transform_3, window_bounds = array<i64: 2, 1000, 128>}]} {
    %get3A = arith.constant 0 : index
    %get3A_0 = arith.constant 0 : index
    %get3A_1 = vector.load %arg1[%get3A, %get3A_0] : memref<1000x128xf32, #tpu.memory_space<vmem>>, vector<1000x128xf32>
    %get3A_2 = arith.constant 0 : index
    %get3A_3 = arith.constant 0 : index
    %get3A_4 = vector.load %arg2[%get3A_2, %get3A_3] : memref<128x128xf32, #tpu.memory_space<vmem>>, vector<128x128xf32>
    %dot_general3A = arith.constant dense<0.000000e+00> : vector<1000x128xf32>
    %dot_general3A_5 = tpu.matmul %get3A_1, %get3A_4, %dot_general3A {dimension_numbers = #tpu.dot_dimension_numbers<[1], [0], [0], [1], [0, 0, 1, 1], [], []>, transpose_lhs_hint = false} : vector<1000x128xf32>, vector<128x128xf32>, vector<1000x128xf32> -> vector<1000x128xf32>
    %swap3A = arith.constant 0 : index
    %swap3A_6 = arith.constant 0 : index
    %swap3A_7 = arith.constant 0 : index
    %swap3A_8 = vector.load %arg4[%swap3A, %swap3A_6, %swap3A_7] : memref<2x1000x128xf32, #tpu.memory_space<vmem>>, vector<1x1000x128xf32>
    %swap3A_9 = vector.shape_cast %swap3A_8 : vector<1x1000x128xf32> to vector<1000x128xf32>
    %swap3A_10 = vector.shape_cast %dot_general3A_5 : vector<1000x128xf32> to vector<1x1000x128xf32>
    tpu.vector_store %arg4[%swap3A, %swap3A_6, %swap3A_7], %swap3A_10 {strides = array<i32>} : memref<2x1000x128xf32, #tpu.memory_space<vmem>>, vector<1x1000x128xf32>,
    %get3A_11 = arith.constant 0 : index
    %get3A_12 = arith.constant 0 : index
    %get3A_13 = vector.load %arg3[%get3A_11, %get3A_12] : memref<128x128xf32, #tpu.memory_space<vmem>>, vector<128x128xf32>
    %dot_general3A_14 = arith.constant dense<0.000000e+00> : vector<1000x128xf32>
    %dot_general3A_15 = tpu.matmul %get3A_1, %get3A_13, %dot_general3A_14 {dimension_numbers = #tpu.dot_dimension_numbers<[1], [0], [0], [1], [0, 0, 1, 1], [], []>, transpose_lhs_hint = false} : vector<1000x128xf32>, vector<128x128xf32>, vector<1000x128xf32> -> vector<1000x128xf32>
    %swap3A_16 = arith.constant 1 : index
    %swap3A_17 = arith.constant 0 : index
    %swap3A_18 = arith.constant 0 : index
    %swap3A_19 = vector.load %arg4[%swap3A_16, %swap3A_17, %swap3A_18] : memref<2x1000x128xf32, #tpu.memory_space<vmem>>, vector<1x1000x128xf32>
    %swap3A_20 = vector.shape_cast %swap3A_19 : vector<1x1000x128xf32> to vector<1000x128xf32>
    %swap3A_21 = vector.shape_cast %dot_general3A_15 : vector<1000x128xf32> to vector<1x1000x128xf32>
    tpu.vector_store %arg4[%swap3A_16, %swap3A_17, %swap3A_18], %swap3A_21 {strides = array<i32>} : memref<2x1000x128xf32, #tpu.memory_space<vmem>>, vector<1x1000x128xf32>,
    return
  }
  func.func @transform_0(%arg0: i32) -> (i32, i32) {
    %c0_i32 = arith.constant 0 : i32
    %c0_i32_0 = arith.constant 0 : i32
    return %arg0, %c0_i32 : i32, i32
  }
  func.func @transform_1(%arg0: i32) -> (i32, i32) {
    %c0_i32 = arith.constant 0 : i32
    %c0_i32_0 = arith.constant 0 : i32
    %c0_i32_1 = arith.constant 0 : i32
    return %c0_i32, %c0_i32_0 : i32, i32
  }
  func.func @transform_2(%arg0: i32) -> (i32, i32) {
    %c0_i32 = arith.constant 0 : i32
    %c0_i32_0 = arith.constant 0 : i32
    %c0_i32_1 = arith.constant 0 : i32
    return %c0_i32, %c0_i32_0 : i32, i32
  }
  func.func @transform_3(%arg0: i32) -> (i32, i32, i32) {
    %c0_i32 = arith.constant 0 : i32
    %c0_i32_0 = arith.constant 0 : i32
    %c0_i32_1 = arith.constant 0 : i32
    return %c0_i32, %arg0, %c0_i32_0 : i32, i32, i32
  }
}

module attributes {stable_mosaic.version = 14 : i64} {
  func.func @_post_body(%arg0: i32, %arg1: memref<2x1000x128xf32, #tpu.memory_space<vmem>>, %arg2: memref<1000x1xi32, #tpu.memory_space<vmem>>, %arg3: memref<1x128xf32, #tpu.memory_space<vmem>>, %arg4: memref<128x128xf32, #tpu.memory_space<vmem>>, %arg5: memref<1x128xf32, #tpu.memory_space<vmem>>, %arg6: memref<1x128xf32, #tpu.memory_space<vmem>>, %arg7: memref<128x128xf32, #tpu.memory_space<vmem>>, %arg8: memref<1x128xf32, #tpu.memory_space<vmem>>, %arg9: memref<128x128xf32, #tpu.memory_space<vmem>>, %arg10: memref<1x128xf32, #tpu.memory_space<vmem>>, %arg11: memref<128x40xf32, #tpu.memory_space<vmem>>, %arg12: memref<1x40xf32, #tpu.memory_space<vmem>>, %arg13: memref<1000x128xf32, #tpu.memory_space<vmem>>, %arg14: memref<1000x40xf32, #tpu.memory_space<vmem>>, %arg15: memref<1000x128xf32, #tpu.memory_space<vmem>>, %arg16: memref<1000x128xf32, #tpu.memory_space<vmem>>, %arg17: memref<1000x128xf32, #tpu.memory_space<vmem>>, %arg18: memref<128x128xf32, #tpu.memory_space<vmem>>, %arg19: memref<128x128xf32, #tpu.memory_space<vmem>>, %arg20: memref<1x128xf32, #tpu.memory_space<vmem>>) attributes {dimension_semantics = [#tpu.dimension_semantics<arbitrary>], iteration_bounds = array<i64: 10>, scalar_prefetch = 0 : i64, scratch_operands = 0 : i64, tpu.core_type = #tpu.core_type<tc>, window_params = [{transform_indices = @transform_0, window_bounds = array<i64: 2, 1000, 128>}, {transform_indices = @transform_1, window_bounds = array<i64: 1000, 1>}, {pipeline_mode = #tpu.pipeline_mode<synchronous>, transform_indices = @transform_2, window_bounds = array<i64: 1, 128>}, {pipeline_mode = #tpu.pipeline_mode<synchronous>, transform_indices = @transform_3, window_bounds = array<i64: 128, 128>}, {pipeline_mode = #tpu.pipeline_mode<synchronous>, transform_indices = @transform_4, window_bounds = array<i64: 1, 128>}, {pipeline_mode = #tpu.pipeline_mode<synchronous>, transform_indices = @transform_5, window_bounds = array<i64: 1, 128>}, {pipeline_mode = #tpu.pipeline_mode<synchronous>, transform_indices = @transform_6, window_bounds = array<i64: 128, 128>}, {pipeline_mode = #tpu.pipeline_mode<synchronous>, transform_indices = @transform_7, window_bounds = array<i64: 1, 128>}, {pipeline_mode = #tpu.pipeline_mode<synchronous>, transform_indices = @transform_8, window_bounds = array<i64: 128, 128>}, {pipeline_mode = #tpu.pipeline_mode<synchronous>, transform_indices = @transform_9, window_bounds = array<i64: 1, 128>}, {pipeline_mode = #tpu.pipeline_mode<synchronous>, transform_indices = @transform_10, window_bounds = array<i64: 128, 40>}, {pipeline_mode = #tpu.pipeline_mode<synchronous>, transform_indices = @transform_11, window_bounds = array<i64: 1, 40>}, {transform_indices = @transform_12, window_bounds = array<i64: 1000, 128>}, {transform_indices = @transform_13, window_bounds = array<i64: 1000, 40>}, {transform_indices = @transform_14, window_bounds = array<i64: 1000, 128>}, {transform_indices = @transform_15, window_bounds = array<i64: 1000, 128>}, {transform_indices = @transform_16, window_bounds = array<i64: 1000, 128>}, {pipeline_mode = #tpu.pipeline_mode<synchronous>, transform_indices = @transform_17, window_bounds = array<i64: 128, 128>}, {pipeline_mode = #tpu.pipeline_mode<synchronous>, transform_indices = @transform_18, window_bounds = array<i64: 128, 128>}, {pipeline_mode = #tpu.pipeline_mode<synchronous>, transform_indices = @transform_19, window_bounds = array<i64: 1, 128>}]} {
    %get3A = arith.constant 0 : index
    %get3A_0 = arith.constant 0 : index
    %get3A_1 = arith.constant 0 : index
    %get3A_2 = vector.load %arg1[%get3A, %get3A_0, %get3A_1] : memref<2x1000x128xf32, #tpu.memory_space<vmem>>, vector<1x1000x128xf32>
    %get3A_3 = vector.shape_cast %get3A_2 : vector<1x1000x128xf32> to vector<1000x128xf32>
    %get3A_4 = arith.constant 0 : index
    %get3A_5 = arith.constant 0 : index
    %get3A_6 = vector.load %arg3[%get3A_4, %get3A_5] : memref<1x128xf32, #tpu.memory_space<vmem>>, vector<1x128xf32>
    %add3A = vector.broadcast %get3A_6 : vector<1x128xf32> to vector<1000x128xf32>
    %add3A_7 = arith.addf %get3A_3, %add3A : vector<1000x128xf32>
    %max3A = arith.constant 0.000000e+00 : f32
    %max3A_8 = vector.broadcast %max3A : f32 to vector<1000x128xf32>
    %max3A_9 = arith.maximumf %add3A_7, %max3A_8 : vector<1000x128xf32>
    %get3A_10 = arith.constant 0 : index
    %get3A_11 = arith.constant 0 : index
    %get3A_12 = vector.load %arg4[%get3A_10, %get3A_11] : memref<128x128xf32, #tpu.memory_space<vmem>>, vector<128x128xf32>
    %dot_general3A = arith.constant dense<0.000000e+00> : vector<1000x128xf32>
    %dot_general3A_13 = tpu.matmul %max3A_9, %get3A_12, %dot_general3A {dimension_numbers = #tpu.dot_dimension_numbers<[1], [0], [0], [1], [0, 0, 1, 1], [], []>, transpose_lhs_hint = false} : vector<1000x128xf32>, vector<128x128xf32>, vector<1000x128xf32> -> vector<1000x128xf32>
    %get3A_14 = arith.constant 0 : index
    %get3A_15 = arith.constant 0 : index
    %get3A_16 = vector.load %arg5[%get3A_14, %get3A_15] : memref<1x128xf32, #tpu.memory_space<vmem>>, vector<1x128xf32>
    %add3A_17 = vector.broadcast %get3A_16 : vector<1x128xf32> to vector<1000x128xf32>
    %add3A_18 = arith.addf %dot_general3A_13, %add3A_17 : vector<1000x128xf32>
    %get3A_19 = arith.constant 1 : index
    %get3A_20 = arith.constant 0 : index
    %get3A_21 = arith.constant 0 : index
    %get3A_22 = vector.load %arg1[%get3A_19, %get3A_20, %get3A_21] : memref<2x1000x128xf32, #tpu.memory_space<vmem>>, vector<1x1000x128xf32>
    %get3A_23 = vector.shape_cast %get3A_22 : vector<1x1000x128xf32> to vector<1000x128xf32>
    %get3A_24 = arith.constant 0 : index
    %get3A_25 = arith.constant 0 : index
    %get3A_26 = vector.load %arg6[%get3A_24, %get3A_25] : memref<1x128xf32, #tpu.memory_space<vmem>>, vector<1x128xf32>
    %add3A_27 = vector.broadcast %get3A_26 : vector<1x128xf32> to vector<1000x128xf32>
    %add3A_28 = arith.addf %get3A_23, %add3A_27 : vector<1000x128xf32>
    %max3A_29 = arith.constant 0.000000e+00 : f32
    %max3A_30 = vector.broadcast %max3A_29 : f32 to vector<1000x128xf32>
    %max3A_31 = arith.maximumf %add3A_28, %max3A_30 : vector<1000x128xf32>
    %get3A_32 = arith.constant 0 : index
    %get3A_33 = arith.constant 0 : index
    %get3A_34 = vector.load %arg7[%get3A_32, %get3A_33] : memref<128x128xf32, #tpu.memory_space<vmem>>, vector<128x128xf32>
    %dot_general3A_35 = arith.constant dense<0.000000e+00> : vector<1000x128xf32>
    %dot_general3A_36 = tpu.matmul %max3A_31, %get3A_34, %dot_general3A_35 {dimension_numbers = #tpu.dot_dimension_numbers<[1], [0], [0], [1], [0, 0, 1, 1], [], []>, transpose_lhs_hint = false} : vector<1000x128xf32>, vector<128x128xf32>, vector<1000x128xf32> -> vector<1000x128xf32>
    %get3A_37 = arith.constant 0 : index
    %get3A_38 = arith.constant 0 : index
    %get3A_39 = vector.load %arg8[%get3A_37, %get3A_38] : memref<1x128xf32, #tpu.memory_space<vmem>>, vector<1x128xf32>
    %add3A_40 = vector.broadcast %get3A_39 : vector<1x128xf32> to vector<1000x128xf32>
    %add3A_41 = arith.addf %dot_general3A_36, %add3A_40 : vector<1000x128xf32>
    %add3A_42 = arith.addf %add3A_18, %add3A_41 : vector<1000x128xf32>
    %mul3A = arith.constant 5.000000e-01 : f32
    %mul3A_43 = vector.broadcast %mul3A : f32 to vector<1000x128xf32>
    %mul3A_44 = arith.mulf %add3A_42, %mul3A_43 : vector<1000x128xf32>
    %swap3A = arith.constant 0 : index
    %swap3A_45 = arith.constant 0 : index
    %swap3A_46 = vector.load %arg13[%swap3A, %swap3A_45] : memref<1000x128xf32, #tpu.memory_space<vmem>>, vector<1000x128xf32>
    tpu.vector_store %arg13[%swap3A, %swap3A_45], %mul3A_44 {strides = array<i32>} : memref<1000x128xf32, #tpu.memory_space<vmem>>, vector<1000x128xf32>,
    %get3A_47 = arith.constant 0 : index
    %get3A_48 = arith.constant 0 : index
    %get3A_49 = vector.load %arg9[%get3A_47, %get3A_48] : memref<128x128xf32, #tpu.memory_space<vmem>>, vector<128x128xf32>
    %dot_general3A_50 = arith.constant dense<0.000000e+00> : vector<1000x128xf32>
    %dot_general3A_51 = tpu.matmul %mul3A_44, %get3A_49, %dot_general3A_50 {dimension_numbers = #tpu.dot_dimension_numbers<[1], [0], [0], [1], [0, 0, 1, 1], [], []>, transpose_lhs_hint = false} : vector<1000x128xf32>, vector<128x128xf32>, vector<1000x128xf32> -> vector<1000x128xf32>
    %get3A_52 = arith.constant 0 : index
    %get3A_53 = arith.constant 0 : index
    %get3A_54 = vector.load %arg10[%get3A_52, %get3A_53] : memref<1x128xf32, #tpu.memory_space<vmem>>, vector<1x128xf32>
    %add3A_55 = vector.broadcast %get3A_54 : vector<1x128xf32> to vector<1000x128xf32>
    %add3A_56 = arith.addf %dot_general3A_51, %add3A_55 : vector<1000x128xf32>
    %get3A_57 = arith.constant 0 : index
    %get3A_58 = arith.constant 0 : index
    %get3A_59 = vector.load %arg11[%get3A_57, %get3A_58] : memref<128x40xf32, #tpu.memory_space<vmem>>, vector<128x40xf32>
    %dot_general3A_60 = arith.constant dense<0.000000e+00> : vector<1000x40xf32>
    %dot_general3A_61 = tpu.matmul %add3A_56, %get3A_59, %dot_general3A_60 {dimension_numbers = #tpu.dot_dimension_numbers<[1], [0], [0], [1], [0, 0, 1, 1], [], []>, transpose_lhs_hint = false} : vector<1000x128xf32>, vector<128x40xf32>, vector<1000x40xf32> -> vector<1000x40xf32>
    %get3A_62 = arith.constant 0 : index
    %get3A_63 = arith.constant 0 : index
    %get3A_64 = vector.load %arg12[%get3A_62, %get3A_63] : memref<1x40xf32, #tpu.memory_space<vmem>>, vector<1x40xf32>
    %add3A_65 = vector.broadcast %get3A_64 : vector<1x40xf32> to vector<1000x40xf32>
    %add3A_66 = arith.addf %dot_general3A_61, %add3A_65 : vector<1000x40xf32>
    %reduce_max3A = arith.constant dense<0xFF800000> : vector<1000xf32>
    %reduce_max3A_67 = vector.multi_reduction <maximumf>, %add3A_66, %reduce_max3A [1] : vector<1000x40xf32> to vector<1000xf32>
    %broadcast_in_dim3A = vector.shape_cast %reduce_max3A_67 : vector<1000xf32> to vector<1000x1xf32>
    %sub3A = vector.broadcast %broadcast_in_dim3A : vector<1000x1xf32> to vector<1000x40xf32>
    %sub3A_68 = arith.subf %add3A_66, %sub3A : vector<1000x40xf32>
    %exp3A = math.exp %sub3A_68 : vector<1000x40xf32>
    %reduce_sum3A = arith.constant dense<0.000000e+00> : vector<1000xf32>
    %reduce_sum3A_69 = vector.multi_reduction <add>, %exp3A, %reduce_sum3A [1] : vector<1000x40xf32> to vector<1000xf32>
    %broadcast_in_dim3A_70 = vector.shape_cast %reduce_sum3A_69 : vector<1000xf32> to vector<1000x1xf32>
    %log3A = math.log %broadcast_in_dim3A_70 : vector<1000x1xf32>
    %sub3A_71 = vector.broadcast %log3A : vector<1000x1xf32> to vector<1000x40xf32>
    %sub3A_72 = arith.subf %sub3A_68, %sub3A_71 : vector<1000x40xf32>
    %swap3A_73 = arith.constant 0 : index
    %swap3A_74 = arith.constant 0 : index
    %swap3A_75 = vector.load %arg14[%swap3A_73, %swap3A_74] : memref<1000x40xf32, #tpu.memory_space<vmem>>, vector<1000x40xf32>
    tpu.vector_store %arg14[%swap3A_73, %swap3A_74], %sub3A_72 {strides = array<i32>} : memref<1000x40xf32, #tpu.memory_space<vmem>>, vector<1000x40xf32>,
    %get3A_76 = arith.constant 0 : index
    %get3A_77 = arith.constant 0 : index
    %get3A_78 = vector.load %arg2[%get3A_76, %get3A_77] : memref<1000x1xi32, #tpu.memory_space<vmem>>, vector<1000x1xi32>
    %convert_element_type3A = arith.sitofp %get3A_78 : vector<1000x1xi32> to vector<1000x1xf32>
    %broadcast_in_dim3A_79 = arith.constant 0.000000e+00 : f32
    %broadcast_in_dim3A_80 = vector.broadcast %broadcast_in_dim3A_79 : f32 to vector<1000x87xf32>
    %concatenate3A = tpu.concatenate %sub3A_72, %convert_element_type3A, %broadcast_in_dim3A_80 in 1 : vector<1000x40xf32>, vector<1000x1xf32>, vector<1000x87xf32> -> vector<1000x128xf32>
    %swap3A_81 = arith.constant 0 : index
    %swap3A_82 = arith.constant 0 : index
    %swap3A_83 = vector.load %arg15[%swap3A_81, %swap3A_82] : memref<1000x128xf32, #tpu.memory_space<vmem>>, vector<1000x128xf32>
    tpu.vector_store %arg15[%swap3A_81, %swap3A_82], %concatenate3A {strides = array<i32>} : memref<1000x128xf32, #tpu.memory_space<vmem>>, vector<1000x128xf32>,
    %mul3A_84 = arith.mulf %add3A_18, %add3A_18 : vector<1000x128xf32>
    %reduce_sum3A_85 = arith.constant dense<0.000000e+00> : vector<1000xf32>
    %reduce_sum3A_86 = vector.multi_reduction <add>, %mul3A_84, %reduce_sum3A_85 [1] : vector<1000x128xf32> to vector<1000xf32>
    %broadcast_in_dim3A_87 = vector.shape_cast %reduce_sum3A_86 : vector<1000xf32> to vector<1000x1xf32>
    %sqrt3A = math.sqrt %broadcast_in_dim3A_87 : vector<1000x1xf32>
    %jit3A = arith.constant 9.99999996E-13 : f32
    %max3A_88 = vector.broadcast %jit3A : f32 to vector<1000x1xf32>
    %max3A_89 = arith.maximumf %max3A_88, %sqrt3A : vector<1000x1xf32>
    %mul3A_90 = arith.mulf %add3A_41, %add3A_41 : vector<1000x128xf32>
    %reduce_sum3A_91 = arith.constant dense<0.000000e+00> : vector<1000xf32>
    %reduce_sum3A_92 = vector.multi_reduction <add>, %mul3A_90, %reduce_sum3A_91 [1] : vector<1000x128xf32> to vector<1000xf32>
    %broadcast_in_dim3A_93 = vector.shape_cast %reduce_sum3A_92 : vector<1000xf32> to vector<1000x1xf32>
    %sqrt3A_94 = math.sqrt %broadcast_in_dim3A_93 : vector<1000x1xf32>
    %jit3A_95 = arith.constant 9.99999996E-13 : f32
    %max3A_96 = vector.broadcast %jit3A_95 : f32 to vector<1000x1xf32>
    %max3A_97 = arith.maximumf %max3A_96, %sqrt3A_94 : vector<1000x1xf32>
    %div3A = vector.broadcast %max3A_89 : vector<1000x1xf32> to vector<1000x128xf32>
    %div3A_98 = arith.divf %add3A_18, %div3A : vector<1000x128xf32>
    %div3A_99 = vector.broadcast %max3A_97 : vector<1000x1xf32> to vector<1000x128xf32>
    %div3A_100 = arith.divf %add3A_41, %div3A_99 : vector<1000x128xf32>
    %swap3A_101 = arith.constant 0 : index
    %swap3A_102 = arith.constant 0 : index
    %swap3A_103 = vector.load %arg16[%swap3A_101, %swap3A_102] : memref<1000x128xf32, #tpu.memory_space<vmem>>, vector<1000x128xf32>
    tpu.vector_store %arg16[%swap3A_101, %swap3A_102], %div3A_98 {strides = array<i32>} : memref<1000x128xf32, #tpu.memory_space<vmem>>, vector<1000x128xf32>,
    %swap3A_104 = arith.constant 0 : index
    %swap3A_105 = arith.constant 0 : index
    %swap3A_106 = vector.load %arg17[%swap3A_104, %swap3A_105] : memref<1000x128xf32, #tpu.memory_space<vmem>>, vector<1000x128xf32>
    tpu.vector_store %arg17[%swap3A_104, %swap3A_105], %div3A_100 {strides = array<i32>} : memref<1000x128xf32, #tpu.memory_space<vmem>>, vector<1000x128xf32>,
    %dot_general3A_107 = arith.constant dense<0.000000e+00> : vector<128x128xf32>
    %dot_general3A_108 = tpu.matmul %div3A_98, %div3A_98, %dot_general3A_107 {dimension_numbers = #tpu.dot_dimension_numbers<[0], [0], [1], [1], [0, 1, 1, 1], [], []>, transpose_lhs_hint = false} : vector<1000x128xf32>, vector<1000x128xf32>, vector<128x128xf32> -> vector<128x128xf32>
    %dot_general3A_109 = arith.constant dense<0.000000e+00> : vector<128x128xf32>
    %dot_general3A_110 = tpu.matmul %div3A_100, %div3A_100, %dot_general3A_109 {dimension_numbers = #tpu.dot_dimension_numbers<[0], [0], [1], [1], [0, 1, 1, 1], [], []>, transpose_lhs_hint = false} : vector<1000x128xf32>, vector<1000x128xf32>, vector<128x128xf32> -> vector<128x128xf32>
    %mul3A_111 = arith.mulf %div3A_98, %div3A_100 : vector<1000x128xf32>
    %reduce_sum3A_112 = arith.constant dense<0.000000e+00> : vector<1000xf32>
    %reduce_sum3A_113 = vector.multi_reduction <add>, %mul3A_111, %reduce_sum3A_112 [1] : vector<1000x128xf32> to vector<1000xf32>
    %sub3A_114 = arith.constant 1.000000e+00 : f32
    %sub3A_115 = vector.broadcast %sub3A_114 : f32 to vector<1000xf32>
    %sub3A_116 = arith.subf %reduce_sum3A_113, %sub3A_115 : vector<1000xf32>
    %integer_pow3A = arith.mulf %sub3A_116, %sub3A_116 : vector<1000xf32>
    %reduce_sum3A_117 = vector.shape_cast %integer_pow3A : vector<1000xf32> to vector<1x1000xf32>
    %reduce_sum3A_118 = arith.constant dense<0.000000e+00> : vector<1xf32>
    %reduce_sum3A_119 = vector.multi_reduction <add>, %reduce_sum3A_117, %reduce_sum3A_118 [1] : vector<1x1000xf32> to vector<1xf32>
    %reduce_sum3A_120 = vector.shape_cast %reduce_sum3A_119 : vector<1xf32> to vector<1x1xf32>
    %reduce_sum3A_121 = vector.extract %reduce_sum3A_120[0, 0] : f32 from vector<1x1xf32>
    %mul3A_122 = arith.mulf %reduce_sum3A_113, %reduce_sum3A_113 : vector<1000xf32>
    %reduce_sum3A_123 = vector.shape_cast %mul3A_122 : vector<1000xf32> to vector<1x1000xf32>
    %reduce_sum3A_124 = arith.constant dense<0.000000e+00> : vector<1xf32>
    %reduce_sum3A_125 = vector.multi_reduction <add>, %reduce_sum3A_123, %reduce_sum3A_124 [1] : vector<1x1000xf32> to vector<1xf32>
    %reduce_sum3A_126 = vector.shape_cast %reduce_sum3A_125 : vector<1xf32> to vector<1x1xf32>
    %reduce_sum3A_127 = vector.extract %reduce_sum3A_126[0, 0] : f32 from vector<1x1xf32>
    %iota3A = tpu.iota {dimensions = array<i32: 1>} : vector<1x128xi32>
    %eq3A = arith.constant 0 : i32
    %eq3A_128 = vector.broadcast %eq3A : i32 to vector<1x128xi32>
    %eq3A_129 = arith.cmpi eq, %iota3A, %eq3A_128 : vector<1x128xi32>
    %jit3A_130 = arith.constant 0.000000e+00 : f32
    %broadcast_in_dim3A_131 = vector.broadcast %reduce_sum3A_121 : f32 to vector<1x128xf32>
    %broadcast_in_dim3A_132 = vector.broadcast %jit3A_130 : f32 to vector<1x128xf32>
    %select_n3A = arith.select %eq3A_129, %broadcast_in_dim3A_131, %broadcast_in_dim3A_132 : vector<1x128xi1>, vector<1x128xf32>
    %eq3A_133 = arith.constant 1 : i32
    %eq3A_134 = vector.broadcast %eq3A_133 : i32 to vector<1x128xi32>
    %eq3A_135 = arith.cmpi eq, %iota3A, %eq3A_134 : vector<1x128xi32>
    %jit3A_136 = arith.constant 0.000000e+00 : f32
    %broadcast_in_dim3A_137 = vector.broadcast %reduce_sum3A_127 : f32 to vector<1x128xf32>
    %broadcast_in_dim3A_138 = vector.broadcast %jit3A_136 : f32 to vector<1x128xf32>
    %select_n3A_139 = arith.select %eq3A_135, %broadcast_in_dim3A_137, %broadcast_in_dim3A_138 : vector<1x128xi1>, vector<1x128xf32>
    %add3A_140 = arith.addf %select_n3A, %select_n3A_139 : vector<1x128xf32>
    %eq3A_141 = arith.constant 0 : i32
    %eq3A_142 = arith.cmpi eq, %arg0, %eq3A_141 : i32
    %convert_element_type3A_143 = arith.extui %eq3A_142 : i1 to i32
    %cond3A = arith.constant 0 : i32
    %cond3A_144 = arith.cmpi ne, %convert_element_type3A_143, %cond3A : i32
    scf.if %cond3A_144 {
      %swap3A_149 = arith.constant 0 : index
      %swap3A_150 = arith.constant 0 : index
      %swap3A_151 = vector.load %arg18[%swap3A_149, %swap3A_150] : memref<128x128xf32, #tpu.memory_space<vmem>>, vector<128x128xf32>
      tpu.vector_store %arg18[%swap3A_149, %swap3A_150], %dot_general3A_108 {strides = array<i32>} : memref<128x128xf32, #tpu.memory_space<vmem>>, vector<128x128xf32>,
      %swap3A_152 = arith.constant 0 : index
      %swap3A_153 = arith.constant 0 : index
      %swap3A_154 = vector.load %arg19[%swap3A_152, %swap3A_153] : memref<128x128xf32, #tpu.memory_space<vmem>>, vector<128x128xf32>
      tpu.vector_store %arg19[%swap3A_152, %swap3A_153], %dot_general3A_110 {strides = array<i32>} : memref<128x128xf32, #tpu.memory_space<vmem>>, vector<128x128xf32>,
      %swap3A_155 = arith.constant 0 : index
      %swap3A_156 = arith.constant 0 : index
      %swap3A_157 = vector.load %arg20[%swap3A_155, %swap3A_156] : memref<1x128xf32, #tpu.memory_space<vmem>>, vector<1x128xf32>
      tpu.vector_store %arg20[%swap3A_155, %swap3A_156], %add3A_140 {strides = array<i32>} : memref<1x128xf32, #tpu.memory_space<vmem>>, vector<1x128xf32>,
    } else {
    }
    %ne3A = arith.constant 0 : i32
    %ne3A_145 = arith.cmpi ne, %arg0, %ne3A : i32
    %convert_element_type3A_146 = arith.extui %ne3A_145 : i1 to i32
    %cond3A_147 = arith.constant 0 : i32
    %cond3A_148 = arith.cmpi ne, %convert_element_type3A_146, %cond3A_147 : i32
    scf.if %cond3A_148 {
      %get3A_149 = arith.constant 0 : index
      %get3A_150 = arith.constant 0 : index
      %get3A_151 = vector.load %arg18[%get3A_149, %get3A_150] : memref<128x128xf32, #tpu.memory_space<vmem>>, vector<128x128xf32>
      %add3A_152 = arith.addf %get3A_151, %dot_general3A_108 : vector<128x128xf32>
      %swap3A_153 = arith.constant 0 : index
      %swap3A_154 = arith.constant 0 : index
      %swap3A_155 = vector.load %arg18[%swap3A_153, %swap3A_154] : memref<128x128xf32, #tpu.memory_space<vmem>>, vector<128x128xf32>
      tpu.vector_store %arg18[%swap3A_153, %swap3A_154], %add3A_152 {strides = array<i32>} : memref<128x128xf32, #tpu.memory_space<vmem>>, vector<128x128xf32>,
      %get3A_156 = arith.constant 0 : index
      %get3A_157 = arith.constant 0 : index
      %get3A_158 = vector.load %arg19[%get3A_156, %get3A_157] : memref<128x128xf32, #tpu.memory_space<vmem>>, vector<128x128xf32>
      %add3A_159 = arith.addf %get3A_158, %dot_general3A_110 : vector<128x128xf32>
      %swap3A_160 = arith.constant 0 : index
      %swap3A_161 = arith.constant 0 : index
      %swap3A_162 = vector.load %arg19[%swap3A_160, %swap3A_161] : memref<128x128xf32, #tpu.memory_space<vmem>>, vector<128x128xf32>
      tpu.vector_store %arg19[%swap3A_160, %swap3A_161], %add3A_159 {strides = array<i32>} : memref<128x128xf32, #tpu.memory_space<vmem>>, vector<128x128xf32>,
      %get3A_163 = arith.constant 0 : index
      %get3A_164 = arith.constant 0 : index
      %get3A_165 = vector.load %arg20[%get3A_163, %get3A_164] : memref<1x128xf32, #tpu.memory_space<vmem>>, vector<1x128xf32>
      %add3A_166 = arith.addf %get3A_165, %add3A_140 : vector<1x128xf32>
      %swap3A_167 = arith.constant 0 : index
      %swap3A_168 = arith.constant 0 : index
      %swap3A_169 = vector.load %arg20[%swap3A_167, %swap3A_168] : memref<1x128xf32, #tpu.memory_space<vmem>>, vector<1x128xf32>
      tpu.vector_store %arg20[%swap3A_167, %swap3A_168], %add3A_166 {strides = array<i32>} : memref<1x128xf32, #tpu.memory_space<vmem>>, vector<1x128xf32>,
    } else {
    }
    return
  }
  func.func @transform_0(%arg0: i32) -> (i32, i32, i32) {
    %c0_i32 = arith.constant 0 : i32
    %c0_i32_0 = arith.constant 0 : i32
    %c0_i32_1 = arith.constant 0 : i32
    return %c0_i32, %arg0, %c0_i32_0 : i32, i32, i32
  }
  func.func @transform_1(%arg0: i32) -> (i32, i32) {
    %c0_i32 = arith.constant 0 : i32
    %c0_i32_0 = arith.constant 0 : i32
    return %arg0, %c0_i32 : i32, i32
  }
  func.func @transform_2(%arg0: i32) -> (i32, i32) {
    %c0_i32 = arith.constant 0 : i32
    %c0_i32_0 = arith.constant 0 : i32
    %c0_i32_1 = arith.constant 0 : i32
    return %c0_i32, %c0_i32_0 : i32, i32
  }
  func.func @transform_3(%arg0: i32) -> (i32, i32) {
    %c0_i32 = arith.constant 0 : i32
    %c0_i32_0 = arith.constant 0 : i32
    %c0_i32_1 = arith.constant 0 : i32
    return %c0_i32, %c0_i32_0 : i32, i32
  }
  func.func @transform_4(%arg0: i32) -> (i32, i32) {
    %c0_i32 = arith.constant 0 : i32
    %c0_i32_0 = arith.constant 0 : i32
    %c0_i32_1 = arith.constant 0 : i32
    return %c0_i32, %c0_i32_0 : i32, i32
  }
  func.func @transform_5(%arg0: i32) -> (i32, i32) {
    %c0_i32 = arith.constant 0 : i32
    %c0_i32_0 = arith.constant 0 : i32
    %c0_i32_1 = arith.constant 0 : i32
    return %c0_i32, %c0_i32_0 : i32, i32
  }
  func.func @transform_6(%arg0: i32) -> (i32, i32) {
    %c0_i32 = arith.constant 0 : i32
    %c0_i32_0 = arith.constant 0 : i32
    %c0_i32_1 = arith.constant 0 : i32
    return %c0_i32, %c0_i32_0 : i32, i32
  }
  func.func @transform_7(%arg0: i32) -> (i32, i32) {
    %c0_i32 = arith.constant 0 : i32
    %c0_i32_0 = arith.constant 0 : i32
    %c0_i32_1 = arith.constant 0 : i32
    return %c0_i32, %c0_i32_0 : i32, i32
  }
  func.func @transform_8(%arg0: i32) -> (i32, i32) {
    %c0_i32 = arith.constant 0 : i32
    %c0_i32_0 = arith.constant 0 : i32
    %c0_i32_1 = arith.constant 0 : i32
    return %c0_i32, %c0_i32_0 : i32, i32
  }
  func.func @transform_9(%arg0: i32) -> (i32, i32) {
    %c0_i32 = arith.constant 0 : i32
    %c0_i32_0 = arith.constant 0 : i32
    %c0_i32_1 = arith.constant 0 : i32
    return %c0_i32, %c0_i32_0 : i32, i32
  }
  func.func @transform_10(%arg0: i32) -> (i32, i32) {
    %c0_i32 = arith.constant 0 : i32
    %c0_i32_0 = arith.constant 0 : i32
    %c0_i32_1 = arith.constant 0 : i32
    return %c0_i32, %c0_i32_0 : i32, i32
  }
  func.func @transform_11(%arg0: i32) -> (i32, i32) {
    %c0_i32 = arith.constant 0 : i32
    %c0_i32_0 = arith.constant 0 : i32
    %c0_i32_1 = arith.constant 0 : i32
    return %c0_i32, %c0_i32_0 : i32, i32
  }
  func.func @transform_12(%arg0: i32) -> (i32, i32) {
    %c0_i32 = arith.constant 0 : i32
    %c0_i32_0 = arith.constant 0 : i32
    return %arg0, %c0_i32 : i32, i32
  }
  func.func @transform_13(%arg0: i32) -> (i32, i32) {
    %c0_i32 = arith.constant 0 : i32
    %c0_i32_0 = arith.constant 0 : i32
    return %arg0, %c0_i32 : i32, i32
  }
  func.func @transform_14(%arg0: i32) -> (i32, i32) {
    %c0_i32 = arith.constant 0 : i32
    %c0_i32_0 = arith.constant 0 : i32
    return %arg0, %c0_i32 : i32, i32
  }
  func.func @transform_15(%arg0: i32) -> (i32, i32) {
    %c0_i32 = arith.constant 0 : i32
    %c0_i32_0 = arith.constant 0 : i32
    return %arg0, %c0_i32 : i32, i32
  }
  func.func @transform_16(%arg0: i32) -> (i32, i32) {
    %c0_i32 = arith.constant 0 : i32
    %c0_i32_0 = arith.constant 0 : i32
    return %arg0, %c0_i32 : i32, i32
  }
  func.func @transform_17(%arg0: i32) -> (i32, i32) {
    %c0_i32 = arith.constant 0 : i32
    %c0_i32_0 = arith.constant 0 : i32
    %c0_i32_1 = arith.constant 0 : i32
    return %c0_i32, %c0_i32_0 : i32, i32
  }
  func.func @transform_18(%arg0: i32) -> (i32, i32) {
    %c0_i32 = arith.constant 0 : i32
    %c0_i32_0 = arith.constant 0 : i32
    %c0_i32_1 = arith.constant 0 : i32
    return %c0_i32, %c0_i32_0 : i32, i32
  }
  func.func @transform_19(%arg0: i32) -> (i32, i32) {
    %c0_i32 = arith.constant 0 : i32
    %c0_i32_0 = arith.constant 0 : i32
    %c0_i32_1 = arith.constant 0 : i32
    return %c0_i32, %c0_i32_0 : i32, i32
  }
}

module attributes {stable_mosaic.version = 14 : i64} {
  func.func @_final_body(%arg0: memref<1000x128xf32, #tpu.memory_space<vmem>>, %arg1: memref<1000x128xf32, #tpu.memory_space<vmem>>, %arg2: memref<1000x128xf32, #tpu.memory_space<vmem>>, %arg3: memref<1000x1xi32, #tpu.memory_space<vmem>>, %arg4: memref<1x1000xi32, #tpu.memory_space<vmem>>, %arg5: memref<128x128xf32, #tpu.memory_space<vmem>>, %arg6: memref<128x128xf32, #tpu.memory_space<vmem>>, %arg7: memref<1x128xf32, #tpu.memory_space<vmem>>, %arg8: memref<1x128xf32, #tpu.memory_space<vmem>>) attributes {dimension_semantics = [], scalar_prefetch = 0 : i64, scratch_operands = 0 : i64, tpu.core_type = #tpu.core_type<tc>} {
    %get3A = arith.constant 0 : index
    %get3A_0 = arith.constant 0 : index
    %get3A_1 = vector.load %arg0[%get3A, %get3A_0] : memref<1000x128xf32, #tpu.memory_space<vmem>>, vector<1000x128xf32>
    %get3A_2 = arith.constant 0 : index
    %get3A_3 = arith.constant 0 : index
    %get3A_4 = vector.load %arg1[%get3A_2, %get3A_3] : memref<1000x128xf32, #tpu.memory_space<vmem>>, vector<1000x128xf32>
    %dot_general3A = arith.constant dense<0.000000e+00> : vector<1000x1000xf32>
    %dot_general3A_5 = tpu.matmul %get3A_1, %get3A_4, %dot_general3A {dimension_numbers = #tpu.dot_dimension_numbers<[1], [1], [0], [0], [0, 0, 1, 0], [], []>, transpose_lhs_hint = false} : vector<1000x128xf32>, vector<1000x128xf32>, vector<1000x1000xf32> -> vector<1000x1000xf32>
    %mul3A = arith.constant 2.000000e+00 : f32
    %mul3A_6 = vector.broadcast %mul3A : f32 to vector<1000x1000xf32>
    %mul3A_7 = arith.mulf %dot_general3A_5, %mul3A_6 : vector<1000x1000xf32>
    %reduce_max3A = arith.constant dense<0xFF800000> : vector<1000xf32>
    %reduce_max3A_8 = vector.multi_reduction <maximumf>, %mul3A_7, %reduce_max3A [1] : vector<1000x1000xf32> to vector<1000xf32>
    %broadcast_in_dim3A = vector.shape_cast %reduce_max3A_8 : vector<1000xf32> to vector<1000x1xf32>
    %sub3A = vector.broadcast %broadcast_in_dim3A : vector<1000x1xf32> to vector<1000x1000xf32>
    %sub3A_9 = arith.subf %mul3A_7, %sub3A : vector<1000x1000xf32>
    %exp3A = math.exp %sub3A_9 : vector<1000x1000xf32>
    %reduce_sum3A = arith.constant dense<0.000000e+00> : vector<1000xf32>
    %reduce_sum3A_10 = vector.multi_reduction <add>, %exp3A, %reduce_sum3A [1] : vector<1000x1000xf32> to vector<1000xf32>
    %broadcast_in_dim3A_11 = vector.shape_cast %reduce_sum3A_10 : vector<1000xf32> to vector<1000x1xf32>
    %log3A = math.log %broadcast_in_dim3A_11 : vector<1000x1xf32>
    %add3A = arith.addf %broadcast_in_dim3A, %log3A : vector<1000x1xf32>
    %sub3A_12 = vector.broadcast %add3A : vector<1000x1xf32> to vector<1000x1000xf32>
    %sub3A_13 = arith.subf %mul3A_7, %sub3A_12 : vector<1000x1000xf32>
    %get3A_14 = arith.constant 0 : index
    %get3A_15 = arith.constant 0 : index
    %get3A_16 = vector.load %arg3[%get3A_14, %get3A_15] : memref<1000x1xi32, #tpu.memory_space<vmem>>, vector<1000x1xi32>
    %get3A_17 = arith.constant 0 : index
    %get3A_18 = arith.constant 0 : index
    %get3A_19 = vector.load %arg4[%get3A_17, %get3A_18] : memref<1x1000xi32, #tpu.memory_space<vmem>>, vector<1x1000xi32>
    %eq3A = vector.broadcast %get3A_16 : vector<1000x1xi32> to vector<1000x1000xi32>
    %eq3A_20 = vector.broadcast %get3A_19 : vector<1x1000xi32> to vector<1000x1000xi32>
    %eq3A_21 = arith.cmpi eq, %eq3A, %eq3A_20 : vector<1000x1000xi32>
    %convert_element_type3A = arith.extui %eq3A_21 : vector<1000x1000xi1> to vector<1000x1000xi32>
    %convert_element_type3A_22 = arith.sitofp %convert_element_type3A : vector<1000x1000xi32> to vector<1000x1000xf32>
    %mul3A_23 = arith.mulf %sub3A_13, %convert_element_type3A_22 : vector<1000x1000xf32>
    %reduce_sum3A_24 = arith.constant dense<0.000000e+00> : vector<1000xf32>
    %reduce_sum3A_25 = vector.multi_reduction <add>, %mul3A_23, %reduce_sum3A_24 [1] : vector<1000x1000xf32> to vector<1000xf32>
    %reduce_sum3A_26 = arith.constant dense<0.000000e+00> : vector<1000xf32>
    %reduce_sum3A_27 = vector.multi_reduction <add>, %convert_element_type3A_22, %reduce_sum3A_26 [1] : vector<1000x1000xf32> to vector<1000xf32>
    %div3A = arith.divf %reduce_sum3A_25, %reduce_sum3A_27 : vector<1000xf32>
    %reduce_sum3A_28 = vector.shape_cast %div3A : vector<1000xf32> to vector<1x1000xf32>
    %reduce_sum3A_29 = arith.constant dense<0.000000e+00> : vector<1xf32>
    %reduce_sum3A_30 = vector.multi_reduction <add>, %reduce_sum3A_28, %reduce_sum3A_29 [1] : vector<1x1000xf32> to vector<1xf32>
    %reduce_sum3A_31 = vector.shape_cast %reduce_sum3A_30 : vector<1xf32> to vector<1x1xf32>
    %reduce_sum3A_32 = vector.extract %reduce_sum3A_31[0, 0] : f32 from vector<1x1xf32>
    %div3A_33 = arith.constant 1.000000e+03 : f32
    %div3A_34 = arith.divf %reduce_sum3A_32, %div3A_33 : f32
    %neg3A = arith.constant 0.000000e+00 : f32
    %neg3A_35 = arith.subf %neg3A, %div3A_34 : f32
    %iota3A = tpu.iota {dimensions = array<i32: 1>} : vector<1000x128xi32>
    %eq3A_36 = vector.broadcast %get3A_16 : vector<1000x1xi32> to vector<1000x128xi32>
    %eq3A_37 = arith.cmpi eq, %iota3A, %eq3A_36 : vector<1000x128xi32>
    %convert_element_type3A_38 = arith.extui %eq3A_37 : vector<1000x128xi1> to vector<1000x128xi32>
    %convert_element_type3A_39 = arith.sitofp %convert_element_type3A_38 : vector<1000x128xi32> to vector<1000x128xf32>
    %get3A_40 = arith.constant 0 : index
    %get3A_41 = arith.constant 0 : index
    %get3A_42 = vector.load %arg2[%get3A_40, %get3A_41] : memref<1000x128xf32, #tpu.memory_space<vmem>>, vector<1000x128xf32>
    %mul3A_43 = arith.mulf %get3A_42, %convert_element_type3A_39 : vector<1000x128xf32>
    %reduce_sum3A_44 = vector.shape_cast %mul3A_43 : vector<1000x128xf32> to vector<1x1000x128xf32>
    %reduce_sum3A_45 = arith.constant dense<0.000000e+00> : vector<1xf32>
    %reduce_sum3A_46 = vector.multi_reduction <add>, %reduce_sum3A_44, %reduce_sum3A_45 [1, 2] : vector<1x1000x128xf32> to vector<1xf32>
    %reduce_sum3A_47 = vector.shape_cast %reduce_sum3A_46 : vector<1xf32> to vector<1x1x1xf32>
    %reduce_sum3A_48 = vector.extract %reduce_sum3A_47[0, 0, 0] : f32 from vector<1x1x1xf32>
    %neg3A_49 = arith.constant 0.000000e+00 : f32
    %neg3A_50 = arith.subf %neg3A_49, %reduce_sum3A_48 : f32
    %div3A_51 = arith.constant 1.000000e+03 : f32
    %div3A_52 = arith.divf %neg3A_50, %div3A_51 : f32
    %get3A_53 = arith.constant 0 : index
    %get3A_54 = arith.constant 0 : index
    %get3A_55 = vector.load %arg5[%get3A_53, %get3A_54] : memref<128x128xf32, #tpu.memory_space<vmem>>, vector<128x128xf32>
    %get3A_56 = arith.constant 0 : index
    %get3A_57 = arith.constant 0 : index
    %get3A_58 = vector.load %arg6[%get3A_56, %get3A_57] : memref<128x128xf32, #tpu.memory_space<vmem>>, vector<128x128xf32>
    %mul3A_59 = arith.mulf %get3A_55, %get3A_58 : vector<128x128xf32>
    %reduce_sum3A_60 = vector.shape_cast %mul3A_59 : vector<128x128xf32> to vector<1x128x128xf32>
    %reduce_sum3A_61 = arith.constant dense<0.000000e+00> : vector<1xf32>
    %reduce_sum3A_62 = vector.multi_reduction <add>, %reduce_sum3A_60, %reduce_sum3A_61 [1, 2] : vector<1x128x128xf32> to vector<1xf32>
    %reduce_sum3A_63 = vector.shape_cast %reduce_sum3A_62 : vector<1xf32> to vector<1x1x1xf32>
    %reduce_sum3A_64 = vector.extract %reduce_sum3A_63[0, 0, 0] : f32 from vector<1x1x1xf32>
    %get3A_65 = arith.constant 0 : index
    %get3A_66 = arith.constant 0 : index
    %get3A_67 = vector.load %arg7[%get3A_65, %get3A_66] : memref<1x128xf32, #tpu.memory_space<vmem>>, vector<1x1xf32>
    %get3A_68 = vector.extract %get3A_67[0, 0] : f32 from vector<1x1xf32>
    %get3A_69 = arith.constant 0 : index
    %get3A_70 = arith.constant 1 : index
    %get3A_71 = vector.load %arg7[%get3A_69, %get3A_70] : memref<1x128xf32, #tpu.memory_space<vmem>>, vector<1x1xf32>
    %get3A_72 = vector.extract %get3A_71[0, 0] : f32 from vector<1x1xf32>
    %div3A_73 = arith.constant 1.000000e+04 : f32
    %div3A_74 = arith.divf %get3A_68, %div3A_73 : f32
    %sub3A_75 = arith.subf %reduce_sum3A_64, %get3A_72 : f32
    %div3A_76 = arith.constant 9.999000e+07 : f32
    %div3A_77 = arith.divf %sub3A_75, %div3A_76 : f32
    %add3A_78 = arith.addf %div3A_74, %div3A_77 : f32
    %mul3A_79 = arith.constant 1.000000e-01 : f32
    %mul3A_80 = arith.mulf %mul3A_79, %add3A_78 : f32
    %add3A_81 = arith.addf %div3A_52, %mul3A_80 : f32
    %add3A_82 = arith.addf %add3A_81, %neg3A_35 : f32
    %iota3A_83 = tpu.iota {dimensions = array<i32: 1>} : vector<1x128xi32>
    %eq3A_84 = arith.constant 0 : i32
    %eq3A_85 = vector.broadcast %eq3A_84 : i32 to vector<1x128xi32>
    %eq3A_86 = arith.cmpi eq, %iota3A_83, %eq3A_85 : vector<1x128xi32>
    %jit3A = arith.constant 0.000000e+00 : f32
    %broadcast_in_dim3A_87 = vector.broadcast %add3A_82 : f32 to vector<1x128xf32>
    %broadcast_in_dim3A_88 = vector.broadcast %jit3A : f32 to vector<1x128xf32>
    %select_n3A = arith.select %eq3A_86, %broadcast_in_dim3A_87, %broadcast_in_dim3A_88 : vector<1x128xi1>, vector<1x128xf32>
    %swap3A = arith.constant 0 : index
    %swap3A_89 = arith.constant 0 : index
    %swap3A_90 = vector.load %arg8[%swap3A, %swap3A_89] : memref<1x128xf32, #tpu.memory_space<vmem>>, vector<1x128xf32>
    tpu.vector_store %arg8[%swap3A, %swap3A_89], %select_n3A {strides = array<i32>} : memref<1x128xf32, #tpu.memory_space<vmem>>, vector<1x128xf32>,
    return
  }
}

</mosaic_0001>

<sc_bundles>
// kernel: kernel.10.cloned.1.call-start
scs
__scs_entry_jumppad:
0x0: {  	(pc) =	sbr.rel $0x88, $3  }
0x1: {  	(tag) =	ssettag $0x0;
	lr =	simm.s32 $0x1  }
0x2: {  	[smem:$0x3F90] =	sst lr;
	_ =	strace $0xD0000000  }
0x3: {  	_ = 	snop  }
0x4: {  	_ = 	snop  }
0x5: {  	_ = 	snop  }
0x6: {  	_ = 	snop  }
0x7: {  	_ = 	snop  }
__scs_overlays_trampoline_lowered:
0x8: {  	[smem:$0x3F9F] =	sst s0  }
0x9: {  	[smem:$0x3FA0] =	sst s1  }
0xa: {  	[smem:$0x3FA1] =	sst s2  }
0xb: {  	[smem:$0x3FA2] =	sst s3  }
0xc: {  	[smem:$0x3FA3] =	sst s4  }
0xd: {  	[smem:$0x3FA4] =	sst s5  }
0xe: {  	[smem:$0x3FA5] =	sst s6  }
0xf: {  	[smem:$0x3FA6] =	sst s7  }
0x10: {  	[smem:$0x3FA7] =	sst s8  }
0x11: {  	[smem:$0x3FA8] =	sst s9;
	s0 =	simm.s32 @!p0 $0x0  }
0x12: {  	s1 =	sld [smem:$0x3F8E];
	s0 =	simm.s32 @p0 $0x1  }
0x13: {  	[smem:$0x3FA9] =	sst s0;
	s0 =	simm.s32 @!p1 $0x0  }
0x14: {  	s2 =	sld [smem:$0x3F8D];
	s0 =	simm.s32 @p1 $0x1  }
0x15: {  	[smem:$0x3FAA] =	sst s0;
	s0 =	simm.s32 @!p2 $0x0  }
0x16: {  	s3 =	sld [smem:$0x3FDB];
	s0 =	simm.s32 @p2 $0x1  }
0x17: {  	s4 =	simm.s32 $0x1BF5;
	[smem:$0x3FAC] =	sst s0  }
0x18: {  	s0 =	sld [smem:$0x3F8F];
	_ =	swait.ge [sflag:s4], $0x0  }
0x19: {  	s7 =	sld [smem:$0x3F90]  }
0x1a: {  	s8 =	sadd.s32 $0xFFFFE003, lr  }
0x1b: {  	s9 =	sadd.s32 $0xFFFFFEF7, lr;
	s5 =	simm.s32 $0xFFFFFFFF;
	p2 =	slt.u32 s8, $0xFFFFF086  }
0x1c: {  	p1 =	slt.u32 s9, $0xF7A;
	s5 =	simm.s32 @!p2 $0x0  }
0x1d: {  	s5 =	simm.s32 @p1 $0x1;
	p0 =	seq.s32 s7, s2  }
0x1e: {  	s7 =	smul.u32 @!p0 $0xF7A, s2;
	p2 =	seq.s32 @!p0 s5, $0x0  }
0x1f: {  	s9 =	smul.u32 $0xF7A, s1;
	s8 =	simm.s32 @!p0 $0x1BF5;
	p2 =	por !p2, p0  }
0x20: {  	[sflag:s8] =	ssyncset.s32 @!p0 $0xFFFFF086;
	s6 =	sadd.s32 @!p0 s3, s7;
	s7 =	simm.s32 @!p0 $0x108  }
0x21: {  	s3 =	sadd.s32 s3, s9;
	s6 =	sadd.s32 @!p0 $0x88, s6;
	s7 =	simm.s32 @p2 $0x1082  }
0x22: {  	[simem:s7], [sflag:s8] =	dma.local @!p0 [hbm:s6], $0xF7A  }
0x23: {  	s9 =	sor.u32 $0xD0000000, s2;
	s6 =	simm.s32 $0x108;
	_ =	swait.ge @!p0 [sflag:s8], $0x0  }
0x24: {  	s3 =	sadd.s32 $0x88, s3;
	s6 =	simm.s32 @!p1 $0x1082;
	[sflag:s4] =	ssyncset.s32 $0xFFFFF086  }
0x25: {  	[simem:s6], [sflag:s4] =	dma.local [hbm:s3], $0xF7A  }
0x26: {  	[smem:$0x3F90] =	sst s1;
	(tag) =	ssettag s2;
	_ =	strace s9  }
0x27: {  	s1 =	sld [smem:$0x3FA0]  }
0x28: {  	s2 =	sld [smem:$0x3FA1]  }
0x29: {  	s4 =	sld [smem:$0x3FA3]  }
0x2a: {  	p0 =	seq.s32 s5, $0x0;
	s5 =	sld [smem:$0x3FA4]  }
0x2b: {  	s6 =	sld [smem:$0x3FA5]  }
0x2c: {  	s7 =	sld [smem:$0x3FA6]  }
0x2d: {  	s3 =	simm.s32 $0x108;
	s8 =	sld [smem:$0x3FA7]  }
0x2e: {  	s3 =	simm.s32 @!p0 $0x1082;
	s9 =	sld [smem:$0x3FA8]  }
0x2f: {  	lr =	sadd.s32 s0, s3;
	s0 =	sld [smem:$0x3F9F]  }
0x30: {  	s3 =	sld [smem:$0x3FA2]  }
0x31: {  	[smem:$0x3FAB] =	sst s10  }
0x32: {  	s10 =	sld [smem:$0x3FA9];
	_ =	sdelay $0x3  }
0x33: {  	p0 =	seq.s32 s10, $0x1;
	s10 =	sld [smem:$0x3FAB];
	_ =	sdelay $0x3  }
0x34: {  	[smem:$0x3FAB] =	sst s10  }
0x35: {  	s10 =	sld [smem:$0x3FAA];
	_ =	sdelay $0x3  }
0x36: {  	p1 =	seq.s32 s10, $0x1;
	s10 =	sld [smem:$0x3FAB];
	_ =	sdelay $0x3  }
0x37: {  	[smem:$0x3FAB] =	sst s10  }
0x38: {  	s10 =	sld [smem:$0x3FAC]  }
0x39: {  	_ = 	snop;
	(pc) =	sbr.ind lr, $3  }
0x3a: {  	_ = 	snop  }
0x3b: {  	_ = 	snop  }
0x3c: {  	p2 =	seq.s32 s10, $0x1;
	s10 =	sld [smem:$0x3FAB]  }
0x3d: {  	_ =	shalt  }
0x3e: {  	_ =	shalt  }
0x3f: {  	_ =	shalt  }
0x40: {  	_ =	shalt  }
0x41: {  	_ =	shalt  }
0x42: {  	_ =	shalt  }
0x43: {  	_ =	shalt  }
0x44: {  	_ =	shalt  }
0x45: {  	_ =	shalt  }
0x46: {  	_ =	shalt  }
0x47: {  	_ =	shalt  }
0x48: {  	_ =	shalt  }
0x49: {  	_ =	shalt  }
0x4a: {  	_ =	shalt  }
0x4b: {  	_ =	shalt  }
0x4c: {  	_ =	shalt  }
0x4d: {  	_ =	shalt  }
0x4e: {  	_ =	shalt  }
0x4f: {  	_ =	shalt  }
0x50: {  	_ =	shalt  }
0x51: {  	_ =	shalt  }
0x52: {  	_ =	shalt  }
0x53: {  	_ =	shalt  }
0x54: {  	_ =	shalt  }
0x55: {  	_ =	shalt  }
0x56: {  	_ =	shalt  }
0x57: {  	_ =	shalt  }
0x58: {  	_ =	shalt  }
0x59: {  	_ =	shalt  }
0x5a: {  	_ =	shalt  }
0x5b: {  	_ =	shalt  }
0x5c: {  	_ =	shalt  }
0x5d: {  	_ =	shalt  }
0x5e: {  	_ =	shalt  }
0x5f: {  	_ =	shalt  }
0x60: {  	_ =	shalt  }
0x61: {  	_ =	shalt  }
0x62: {  	_ =	shalt  }
0x63: {  	_ =	shalt  }
0x64: {  	_ =	shalt  }
0x65: {  	_ =	shalt  }
0x66: {  	_ =	shalt  }
0x67: {  	_ =	shalt  }
0x68: {  	_ =	shalt  }
0x69: {  	_ =	shalt  }
0x6a: {  	_ =	shalt  }
0x6b: {  	_ =	shalt  }
0x6c: {  	_ =	shalt  }
0x6d: {  	_ =	shalt  }
0x6e: {  	_ =	shalt  }
0x6f: {  	_ =	shalt  }
0x70: {  	_ =	shalt  }
0x71: {  	_ =	shalt  }
0x72: {  	_ =	shalt  }
0x73: {  	_ =	shalt  }
0x74: {  	_ =	shalt  }
0x75: {  	_ =	shalt  }
0x76: {  	_ =	shalt  }
0x77: {  	_ =	shalt  }
0x78: {  	_ =	shalt  }
0x79: {  	_ =	shalt  }
0x7a: {  	_ =	shalt  }
0x7b: {  	_ =	shalt  }
0x7c: {  	_ =	shalt  }
0x7d: {  	_ =	shalt  }
0x7e: {  	_ =	shalt  }
0x7f: {  	_ =	shalt  }
0x80: {  	_ =	shalt  }
0x81: {  	_ =	shalt  }
0x82: {  	_ =	shalt  }
0x83: {  	_ =	shalt  }
0x84: {  	_ =	shalt  }
0x85: {  	_ =	shalt  }
0x86: {  	_ =	shalt  }
0x87: {  	_ =	shalt  }
.Lfunc_end0:
.L_simem_size_0:
called_computation.1_lowered:
.L_overlay_start_0:
0x88: {  	s2 =	sld [smem:$0x3FD9]  }
0x89: {  	s3 =	sld [smem:$0x3FFE];
	_ =	sdelay $0x1  }
0x8a: {  	s1 =	srdreg.scid  }
0x8b: {  	s0 =	sand.u32 $0x1, s1  }
0x8c: {  	s16 =	sshll.u32 s0, $0xA;
	s2 =	sadd.s32 s3, s2  }
0x8d: {  	s2 =	sadd.s32 s2, s16  }
0x8e: {  	[smem:$0x3FB7] =	sst s2  }
0x8f: {  	_ = 	snop  }
0x90: {  	(tm) =	ssettm $0x1  }
0x91: {  	s17 =	sld [smem:$0x3FFB];
	_ =	sdelay $0x3  }
0x92: {  	_ =	strace s17  }
0x93: {  	s2 =	sld [smem:$0x3FFC];
	_ =	sdelay $0x3  }
0x94: {  	_ =	strace s2  }
0x95: {  	s2 =	sld [smem:$0x3FFD];
	_ =	sdelay $0x3  }
0x96: {  	_ =	strace s2  }
0x97: {  	_ =	strace $0x8FFFFFFF  }
0x98: {  	s18 =	sld [smem:$0x3FDB];
	_ =	sdelay $0x1  }
0x99: {  	s19 =	simm.s32 $_scs_section_size  }
0x9a: {  	s4 =	simm.s32 $_size__tile_overlayer_lowered;
	s5 =	simm.s32 $_tile_overlayer_lowered  }
0x9b: {  	s22 =	simm.s32 $0x1BFF;
	s21 =	sshll.u32 s5, $0x1;
	s2 =	sadd.s32 s19, s18  }
0x9c: {  	s6 =	simm.s32 $0x0;
	s20 =	sshll.u32 s4, $0x1;
	s4 =	sadd.s32 s21, s2  }
0x9d: {  	[timem:s6], [sflag:s22] =	dma.local [hbm:s4], s20  }
0x9e: {  	_ =	swait.ge [sflag:s22], s20  }
0x9f: {  	s3 =	ssub.s32 $0x0, s20;
	[sflag:s22] =	ssyncset.done $0x0  }
0xa0: {  	[sflag:s22] =	ssyncadd.s32 s3;
	_ =	sdelay $0x1  }
0xa1: {  	s23 =	simm.s32 $0x1B8B  }
0xa2: {  	_ =	swait.ge [sflag:s23], $0x1  }
0xa3: {  	[sflag:s23] =	ssyncset.done $0x0  }
0xa4: {  	s25 =	simm.s32 $0x1B8E;
	s24 =	sld [smem:$0x3FFE];
	[sflag:s23] =	ssyncadd.s32 $0xFFFFFFFF  }
0xa5: {  	s26 =	simm.s32 $execute0_lowered;
	[smem:$0x3FD2] =	sst s25  }
0xa6: {  	s4 =	sshll.u32 s26, $0x1;
	_ =	strace $0x80000049;
	[dreg:$0x1] =	wrdreg $0xFFFFFFFF  }
0xa7: {  	s28 =	simm.s32 $_size_execute0_lowered;
	s2 =	sadd.s32 s2, s4;
	[dreg:$0x0] =	wrdreg $0x0  }
0xa8: {  	s4 =	sshll.u32 s28, $0x1;
	[dreg:$0x2] =	wrdreg s2  }
0xa9: {  	[dreg:$0x3] =	wrdreg s4  }
0xaa: {  	[dreg:$0x4] =	wrdreg $0xC0  }
0xab: {  	_ =	task [dreg:s6], $0x5FFFF  }
0xac: {  	[dreg:$0x1] =	wrdreg $0xFFFFFFFF  }
0xad: {  	[dreg:$0x0] =	wrdreg $0x60  }
0xae: {  	[dreg:$0x2] =	wrdreg s24  }
0xaf: {  	[dreg:$0x3] =	wrdreg $0x9  }
0xb0: {  	_ =	task.clear_ibuf [dreg:s6], $0x4FFFF;
	_ =	strace $0x90000049  }
0xb1: {  	s29 =	simm.s32 $0x9;
	_ =	strace $0x8000004B  }
0xb2: {  	_ =	swait.ge [sflag:s29], $0x1  }
0xb3: {  	[sflag:s29] =	ssyncadd.s32 $0xFFFFFFFF  }
0xb4: {  	_ =	strace $0x9000004B  }
0xb5: {  	_ =	sfence  }
0xb6: {  	s30 =	sld [smem:$0x0];
	_ =	sdelay $0x2  }
0xb7: {  	s31 =	sshll.u32 s1, $0xD;
	s1 =	sshrl.u32 s1, $0x2  }
0xb8: {  	s3 =	sand.u32 $0x4000, s31;
	s1 =	sadd.s32 s1, s30  }
0xb9: {  	s0 =	sor.u32 s3, s0;
	s1 =	sshll.u32 s1, $0x11  }
0xba: {  	s0 =	sor.u32 s1, s0  }
0xbb: {  	s0 =	sadd.s32 $0x8F2B, s0  }
0xbc: {  	[sflag:s0] =	ssyncadd.remote.s32 $0x1  }
0xbd: {  	_ =	sfence.sel $0xFFFF  }
0xbe: {  	[dreg:$0x0] =	wrdreg $0xFFFFFFFF;
	(pc) =	sbr.abs _section_cstart, $3  }
0xbf: {  	[dreg:$0x1] =	wrdreg $0xFFFFFFFF  }
0xc0: {  	_ =	task.clear_ibuf [dreg:s6], $0x2FFFF;
	_ =	strace $0x9FFFFFFF  }
0xc1: {  	(tm) =	ssettm $0x7FFFFFFF  }
tec
execute0_lowered:
.L_overlay_start_1:
0x0: {  	(tag) =	ssettag $0x1  }
0x1: {  	s1 =	srdreg.scid  }
0x2: {  	s0 =	stileid.u32;
	s13 =	sand.u32 $0x1, s1  }
0x3: {  	s31 =	sshll.u32 s0, $0x6;
	s2 =	sshll.u32 s13, $0x5  }
0x4: {  	s12 =	rddreg [dreg:$0x0];
	s9 =	sor.u32 s2, s31  }
0x5: {  	s1 =	rddreg [dreg:$0x1];
	s2 =	simm.s32 $0x0;
	s3 =	sshrl.u32 s9, $0x3  }
0x6: {  	[smem:$0x7FF] =	sst s2;
	s3 =	sadd.s32 s3, s12  }
0x7: {  	_ =	strace $0x8000004A;
	s4 =	sadd.s32 $0xC7E00, s3;
	s3 =	simm.s32 $0x2  }
0x8: {  	[tilespmem:s2], [sflag:$0x2] =	stream.linear.gather [hbm4b:s4+s2], $0x20, $0x38;
	[tilespmem:$0x2080] =	vst v63  }
0x9: {  	_ =	swait.ge [sflag:s3], $0x20  }
0xa: {  	s6 =	simm.s32 $0x20;
	s7 =	simm.s32 $0x80;
	[sflag:s3] =	ssyncset.done $0x0  }
0xb: {  	s8 =	simm.s32 $0x1;
	s5 =	sadd.s32 $0x2A00, s12;
	[sflag:s3] =	ssyncadd.s32 $0xFFFFFFE0  }
0xc: {  	[tilespmem:s7], [sflag:$0x1] =	stream.indirect.gather [hbm4b:s5+s6], $0x80, s2, s6, $0xb8;
	[tilespmem:$0x2080] =	vst v63  }
0xd: {  	s9 =	sshll.u32 s9, $0x4;
	_ =	swait.ge [sflag:s8], $0x1000  }
0xe: {  	s14 =	sadd.s32 s9, s12;
	[sflag:s8] =	ssyncset.done $0x0  }
0xf: {  	s9 =	sadd.s32 $0x80000, s14;
	[sflag:s8] =	ssyncadd.s32 $0xFFFFF000  }
0x10: {  	[hbm4b:s9+s2] =	stream.linear.scatter [tilespmem:s7], [sflag:$0x2], $0x1000, $0x38;
	[tilespmem:$0x2080] =	vst v63  }
0x11: {  	_ =	swait.ge [sflag:s3], $0x1000  }
0x12: {  	[sflag:s3] =	ssyncset.done $0x0  }
0x13: {  	s10 =	sadd.s32 $0x50E00, s12;
	[sflag:s3] =	ssyncadd.s32 $0xFFFFF000  }
0x14: {  	[tilespmem:s7], [sflag:$0x1] =	stream.indirect.gather [hbm4b:s10+s6], $0x80, s2, s6, $0xb8;
	[tilespmem:$0x2080] =	vst v63  }
0x15: {  	_ =	swait.ge [sflag:s8], $0x1000  }
0x16: {  	[sflag:s8] =	ssyncset.done $0x0  }
0x17: {  	s15 =	ssub.s32 $0x2, s13;
	s11 =	sadd.s32 $0x7C000, s14;
	[sflag:s8] =	ssyncadd.s32 $0xFFFFF000  }
0x18: {  	[hbm4b:s11+s2] =	stream.linear.scatter [tilespmem:s7], [sflag:$0x2], $0x1000, $0x38;
	[tilespmem:$0x2080] =	vst v63  }
0x19: {  	s16 =	sshrl.u32 s15, $0x1;
	_ =	swait.ge [sflag:s3], $0x1000  }
0x1a: {  	s13 =	simm.s32 $0x1080;
	s15 =	ssub.s32 s15, s16;
	[sflag:s3] =	ssyncset.done $0x0  }
0x1b: {  	s12 =	sadd.s32 $0x29C00, s12;
	s15 =	smax.u32 s15, $0x1;
	[sflag:s3] =	ssyncadd.s32 $0xFFFFF000  }
0x1c: {  	[tilespmem:s13], [sflag:$0x1] =	stream.indirect.gather [hbm4b:s12+s6], $0x80, s2, s6, $0xb8;
	[tilespmem:$0x2080] =	vst v63  }
0x1d: {  	p0 =	sne.s32 s15, $0x1;
	_ =	swait.ge [sflag:s8], $0x1000  }
.Ltmp0:
0x1e: {  	[sflag:s8] =	ssyncset.done $0x0;
	(pc) =	sbr.rel @!p0 .LBB2_2-.Ltmp0, $4  }
0x1f: {  	s14 =	sadd.s32 $0x78000, s14;
	[sflag:s8] =	ssyncadd.s32 $0xFFFFF000  }
0x20: {  	[hbm4b:s14+s2] =	stream.linear.scatter [tilespmem:s13], [sflag:$0x2], $0x1000, $0x38;
	[tilespmem:$0x2080] =	vst v63  }
0x21: {  	_ =	swait.ge [sflag:s3], $0x1000  }
0x22: {  	s15 =	sadd.s32 $0xFFFFFFFF, s15;
	[sflag:s3] =	ssyncset.done $0x0  }
.LBB2_1:
0x23: {  	p0 =	sne.s32 s15, $0x1;
	s15 =	sadd.s32 $0xFFFFFFFF, s15;
	[sflag:s3] =	ssyncadd.s32 $0xFFFFF000  }
0x24: {  	[tilespmem:s2], [sflag:$0x2] =	stream.linear.gather [hbm4b:s4+s2], $0x20, $0x38;
	[tilespmem:$0x2080] =	vst v63  }
0x25: {  	_ =	swait.ge [sflag:s3], $0x20  }
0x26: {  	[sflag:s3] =	ssyncset.done $0x0  }
0x27: {  	[sflag:s3] =	ssyncadd.s32 $0xFFFFFFE0  }
0x28: {  	[tilespmem:s7], [sflag:$0x1] =	stream.indirect.gather [hbm4b:s5+s6], $0x80, s2, s6, $0xb8;
	[tilespmem:$0x2080] =	vst v63  }
0x29: {  	_ =	swait.ge [sflag:s8], $0x1000  }
0x2a: {  	[sflag:s8] =	ssyncset.done $0x0  }
0x2b: {  	[sflag:s8] =	ssyncadd.s32 $0xFFFFF000  }
0x2c: {  	[hbm4b:s9+s2] =	stream.linear.scatter [tilespmem:s7], [sflag:$0x2], $0x1000, $0x38;
	[tilespmem:$0x2080] =	vst v63  }
0x2d: {  	_ =	swait.ge [sflag:s3], $0x1000  }
0x2e: {  	[sflag:s3] =	ssyncset.done $0x0  }
0x2f: {  	[sflag:s3] =	ssyncadd.s32 $0xFFFFF000  }
0x30: {  	[tilespmem:s7], [sflag:$0x1] =	stream.indirect.gather [hbm4b:s10+s6], $0x80, s2, s6, $0xb8;
	[tilespmem:$0x2080] =	vst v63  }
0x31: {  	_ =	swait.ge [sflag:s8], $0x1000  }
0x32: {  	[sflag:s8] =	ssyncset.done $0x0  }
0x33: {  	[sflag:s8] =	ssyncadd.s32 $0xFFFFF000  }
0x34: {  	[hbm4b:s11+s2] =	stream.linear.scatter [tilespmem:s7], [sflag:$0x2], $0x1000, $0x38;
	[tilespmem:$0x2080] =	vst v63  }
0x35: {  	_ =	swait.ge [sflag:s3], $0x1000  }
0x36: {  	[sflag:s3] =	ssyncset.done $0x0  }
0x37: {  	[sflag:s3] =	ssyncadd.s32 $0xFFFFF000  }
0x38: {  	[tilespmem:s13], [sflag:$0x1] =	stream.indirect.gather [hbm4b:s12+s6], $0x80, s2, s6, $0xb8;
	[tilespmem:$0x2080] =	vst v63  }
0x39: {  	_ =	swait.ge [sflag:s8], $0x1000  }
.Ltmp1:
0x3a: {  	[sflag:s8] =	ssyncset.done $0x0;
	(pc) =	sbr.rel @p0 .LBB2_1-.Ltmp1, $4  }
0x3b: {  	[sflag:s8] =	ssyncadd.s32 $0xFFFFF000  }
0x3c: {  	[hbm4b:s14+s2] =	stream.linear.scatter [tilespmem:s13], [sflag:$0x2], $0x1000, $0x38;
	[tilespmem:$0x2080] =	vst v63  }
0x3d: {  	_ =	swait.ge [sflag:s3], $0x1000  }
0x3e: {  	[sflag:s3] =	ssyncset.done $0x0  }
.LBB2_2:
0x3f: {  	[sflag:s3] =	ssyncadd.s32 $0xFFFFF000  }
0x40: {  	_ =	sfence.sel $0x180000  }
0x41: {  	[bflag:$0x0] =	sbarrier.arrive $0xFFFF  }
0x42: {  	p0 =	sne.s32 s0, $0x0;
	_ =	strace $0x9000004A  }
0x43: {  	s0 =	sadd.s32 @!p0 $0x100000, s1;
	[bflag:$0x2] =	sbarrier.arrive $0xFFFF  }
0x44: {  	[sflag:s0] =	ssyncadd.tile.s32 @!p0 $0x1;
	_ =	shalt  }
.Lfunc_end2:
_tile_overlayer_lowered:
.L_overlay_start_2:
0x45: {  	(tag) =	ssettag $0x2  }
0x46: {  	s0 =	rddreg [dreg:$0x0];
	s2 =	stileid.u32  }
0x47: {  	s1 =	rddreg [dreg:$0x1];
	p0 =	sne.s32 s2, $0x0  }
0x48: {  	s3 =	rddreg [dreg:$0x2];
	[bflag:$0x3] =	sbarrier.arrive $0xFFFF;
	s2 =	simm.s32 @!p0 $0x1C02  }
0x49: {  	[timem:s3], [sflag:s2] =	dma.local @!p0 [hbm:s0], s1  }
0x4a: {  	s0 =	simm.s32 @!p0 $0x2  }
0x4b: {  	_ =	swait.ge @!p0 [sflag:s0], s1  }
0x4c: {  	s1 =	ssub.s32 @!p0 $0x0, s1;
	[sflag:s0] =	ssyncset.done @!p0 $0x0  }
0x4d: {  	[sflag:s0] =	ssyncadd.s32 @!p0 s1  }
0x4e: {  	[bflag:$0x3] =	sbarrier.arrive $0xFFFF  }
0x4f: {  	_ =	shalt  }

// kernel: kernel.7.cloned.1.call-start
scs
__scs_entry_jumppad:
0x0: {  	(pc) =	sbr.rel $0x88, $3  }
0x1: {  	(tag) =	ssettag $0x0;
	lr =	simm.s32 $0x1  }
0x2: {  	[smem:$0x3F90] =	sst lr;
	_ =	strace $0xD0000000  }
0x3: {  	_ = 	snop  }
0x4: {  	_ = 	snop  }
0x5: {  	_ = 	snop  }
0x6: {  	_ = 	snop  }
0x7: {  	_ = 	snop  }
__scs_overlays_trampoline_lowered:
0x8: {  	[smem:$0x3F9F] =	sst s0  }
0x9: {  	[smem:$0x3FA0] =	sst s1  }
0xa: {  	[smem:$0x3FA1] =	sst s2  }
0xb: {  	[smem:$0x3FA2] =	sst s3  }
0xc: {  	[smem:$0x3FA3] =	sst s4  }
0xd: {  	[smem:$0x3FA4] =	sst s5  }
0xe: {  	[smem:$0x3FA5] =	sst s6  }
0xf: {  	[smem:$0x3FA6] =	sst s7  }
0x10: {  	[smem:$0x3FA7] =	sst s8  }
0x11: {  	[smem:$0x3FA8] =	sst s9;
	s0 =	simm.s32 @!p0 $0x0  }
0x12: {  	s1 =	sld [smem:$0x3F8E];
	s0 =	simm.s32 @p0 $0x1  }
0x13: {  	[smem:$0x3FA9] =	sst s0;
	s0 =	simm.s32 @!p1 $0x0  }
0x14: {  	s2 =	sld [smem:$0x3F8D];
	s0 =	simm.s32 @p1 $0x1  }
0x15: {  	[smem:$0x3FAA] =	sst s0;
	s0 =	simm.s32 @!p2 $0x0  }
0x16: {  	s3 =	sld [smem:$0x3FDB];
	s0 =	simm.s32 @p2 $0x1  }
0x17: {  	s4 =	simm.s32 $0x1BF5;
	[smem:$0x3FAC] =	sst s0  }
0x18: {  	s0 =	sld [smem:$0x3F8F];
	_ =	swait.ge [sflag:s4], $0x0  }
0x19: {  	s7 =	sld [smem:$0x3F90]  }
0x1a: {  	s8 =	sadd.s32 $0xFFFFE003, lr  }
0x1b: {  	s9 =	sadd.s32 $0xFFFFFEF7, lr;
	s5 =	simm.s32 $0xFFFFFFFF;
	p2 =	slt.u32 s8, $0xFFFFF086  }
0x1c: {  	p1 =	slt.u32 s9, $0xF7A;
	s5 =	simm.s32 @!p2 $0x0  }
0x1d: {  	s5 =	simm.s32 @p1 $0x1;
	p0 =	seq.s32 s7, s2  }
0x1e: {  	s7 =	smul.u32 @!p0 $0xF7A, s2;
	p2 =	seq.s32 @!p0 s5, $0x0  }
0x1f: {  	s9 =	smul.u32 $0xF7A, s1;
	s8 =	simm.s32 @!p0 $0x1BF5;
	p2 =	por !p2, p0  }
0x20: {  	[sflag:s8] =	ssyncset.s32 @!p0 $0xFFFFF086;
	s6 =	sadd.s32 @!p0 s3, s7;
	s7 =	simm.s32 @!p0 $0x108  }
0x21: {  	s3 =	sadd.s32 s3, s9;
	s6 =	sadd.s32 @!p0 $0x88, s6;
	s7 =	simm.s32 @p2 $0x1082  }
0x22: {  	[simem:s7], [sflag:s8] =	dma.local @!p0 [hbm:s6], $0xF7A  }
0x23: {  	s9 =	sor.u32 $0xD0000000, s2;
	s6 =	simm.s32 $0x108;
	_ =	swait.ge @!p0 [sflag:s8], $0x0  }
0x24: {  	s3 =	sadd.s32 $0x88, s3;
	s6 =	simm.s32 @!p1 $0x1082;
	[sflag:s4] =	ssyncset.s32 $0xFFFFF086  }
0x25: {  	[simem:s6], [sflag:s4] =	dma.local [hbm:s3], $0xF7A  }
0x26: {  	[smem:$0x3F90] =	sst s1;
	(tag) =	ssettag s2;
	_ =	strace s9  }
0x27: {  	s1 =	sld [smem:$0x3FA0]  }
0x28: {  	s2 =	sld [smem:$0x3FA1]  }
0x29: {  	s4 =	sld [smem:$0x3FA3]  }
0x2a: {  	p0 =	seq.s32 s5, $0x0;
	s5 =	sld [smem:$0x3FA4]  }
0x2b: {  	s6 =	sld [smem:$0x3FA5]  }
0x2c: {  	s7 =	sld [smem:$0x3FA6]  }
0x2d: {  	s3 =	simm.s32 $0x108;
	s8 =	sld [smem:$0x3FA7]  }
0x2e: {  	s3 =	simm.s32 @!p0 $0x1082;
	s9 =	sld [smem:$0x3FA8]  }
0x2f: {  	lr =	sadd.s32 s0, s3;
	s0 =	sld [smem:$0x3F9F]  }
0x30: {  	s3 =	sld [smem:$0x3FA2]  }
0x31: {  	[smem:$0x3FAB] =	sst s10  }
0x32: {  	s10 =	sld [smem:$0x3FA9];
	_ =	sdelay $0x3  }
0x33: {  	p0 =	seq.s32 s10, $0x1;
	s10 =	sld [smem:$0x3FAB];
	_ =	sdelay $0x3  }
0x34: {  	[smem:$0x3FAB] =	sst s10  }
0x35: {  	s10 =	sld [smem:$0x3FAA];
	_ =	sdelay $0x3  }
0x36: {  	p1 =	seq.s32 s10, $0x1;
	s10 =	sld [smem:$0x3FAB];
	_ =	sdelay $0x3  }
0x37: {  	[smem:$0x3FAB] =	sst s10  }
0x38: {  	s10 =	sld [smem:$0x3FAC]  }
0x39: {  	_ = 	snop;
	(pc) =	sbr.ind lr, $3  }
0x3a: {  	_ = 	snop  }
0x3b: {  	_ = 	snop  }
0x3c: {  	p2 =	seq.s32 s10, $0x1;
	s10 =	sld [smem:$0x3FAB]  }
0x3d: {  	_ =	shalt  }
0x3e: {  	_ =	shalt  }
0x3f: {  	_ =	shalt  }
0x40: {  	_ =	shalt  }
0x41: {  	_ =	shalt  }
0x42: {  	_ =	shalt  }
0x43: {  	_ =	shalt  }
0x44: {  	_ =	shalt  }
0x45: {  	_ =	shalt  }
0x46: {  	_ =	shalt  }
0x47: {  	_ =	shalt  }
0x48: {  	_ =	shalt  }
0x49: {  	_ =	shalt  }
0x4a: {  	_ =	shalt  }
0x4b: {  	_ =	shalt  }
0x4c: {  	_ =	shalt  }
0x4d: {  	_ =	shalt  }
0x4e: {  	_ =	shalt  }
0x4f: {  	_ =	shalt  }
0x50: {  	_ =	shalt  }
0x51: {  	_ =	shalt  }
0x52: {  	_ =	shalt  }
0x53: {  	_ =	shalt  }
0x54: {  	_ =	shalt  }
0x55: {  	_ =	shalt  }
0x56: {  	_ =	shalt  }
0x57: {  	_ =	shalt  }
0x58: {  	_ =	shalt  }
0x59: {  	_ =	shalt  }
0x5a: {  	_ =	shalt  }
0x5b: {  	_ =	shalt  }
0x5c: {  	_ =	shalt  }
0x5d: {  	_ =	shalt  }
0x5e: {  	_ =	shalt  }
0x5f: {  	_ =	shalt  }
0x60: {  	_ =	shalt  }
0x61: {  	_ =	shalt  }
0x62: {  	_ =	shalt  }
0x63: {  	_ =	shalt  }
0x64: {  	_ =	shalt  }
0x65: {  	_ =	shalt  }
0x66: {  	_ =	shalt  }
0x67: {  	_ =	shalt  }
0x68: {  	_ =	shalt  }
0x69: {  	_ =	shalt  }
0x6a: {  	_ =	shalt  }
0x6b: {  	_ =	shalt  }
0x6c: {  	_ =	shalt  }
0x6d: {  	_ =	shalt  }
0x6e: {  	_ =	shalt  }
0x6f: {  	_ =	shalt  }
0x70: {  	_ =	shalt  }
0x71: {  	_ =	shalt  }
0x72: {  	_ =	shalt  }
0x73: {  	_ =	shalt  }
0x74: {  	_ =	shalt  }
0x75: {  	_ =	shalt  }
0x76: {  	_ =	shalt  }
0x77: {  	_ =	shalt  }
0x78: {  	_ =	shalt  }
0x79: {  	_ =	shalt  }
0x7a: {  	_ =	shalt  }
0x7b: {  	_ =	shalt  }
0x7c: {  	_ =	shalt  }
0x7d: {  	_ =	shalt  }
0x7e: {  	_ =	shalt  }
0x7f: {  	_ =	shalt  }
0x80: {  	_ =	shalt  }
0x81: {  	_ =	shalt  }
0x82: {  	_ =	shalt  }
0x83: {  	_ =	shalt  }
0x84: {  	_ =	shalt  }
0x85: {  	_ =	shalt  }
0x86: {  	_ =	shalt  }
0x87: {  	_ =	shalt  }
.Lfunc_end0:
.L_simem_size_0:
called_computation_lowered:
.L_overlay_start_0:
0x88: {  	s2 =	sld [smem:$0x3FD9]  }
0x89: {  	s3 =	sld [smem:$0x3FFE];
	_ =	sdelay $0x1  }
0x8a: {  	s1 =	srdreg.scid  }
0x8b: {  	s0 =	sand.u32 $0x1, s1  }
0x8c: {  	s14 =	sshll.u32 s0, $0xA;
	s2 =	sadd.s32 s3, s2  }
0x8d: {  	s2 =	sadd.s32 s2, s14  }
0x8e: {  	[smem:$0x3FB7] =	sst s2  }
0x8f: {  	_ = 	snop  }
0x90: {  	s2 =	sld [smem:$0x3FD0];
	_ =	sdelay $0x2  }
0x91: {  	s4 =	simm.s32 $0xA;
	s5 =	simm.s32 $0x10;
	s15 =	sld [smem:$0x3FC7]  }
0x92: {  	[smem:s5], [sflag:s4] =	dma.local [hbm:s2], $0x1  }
0x93: {  	_ =	swait.eq [sflag:s4], $0x1  }
0x94: {  	[sflag:s4] =	ssyncset.done $0x0  }
0x95: {  	s16 =	sld [smem:$0x10];
	[sflag:s4] =	ssyncadd.s32 $0xFFFFFFFF  }
0x96: {  	s17 =	sld [smem:$0x11];
	(tm) =	ssettm $0x1  }
0x97: {  	s18 =	sld [smem:$0x3FFB];
	_ =	sdelay $0x3  }
0x98: {  	_ =	strace s18  }
0x99: {  	s5 =	sld [smem:$0x3FFC];
	_ =	sdelay $0x3  }
0x9a: {  	_ =	strace s5  }
0x9b: {  	s5 =	sld [smem:$0x3FFD];
	_ =	sdelay $0x3  }
0x9c: {  	_ =	strace s5  }
0x9d: {  	_ =	strace $0x8FFFFFFF  }
0x9e: {  	s19 =	sld [smem:$0x3FDB];
	_ =	sdelay $0x1  }
0x9f: {  	s6 =	simm.s32 $_scs_section_size  }
0xa0: {  	s7 =	simm.s32 $_size__tile_overlayer_lowered;
	s8 =	simm.s32 $_tile_overlayer_lowered  }
0xa1: {  	s22 =	simm.s32 $0x1BFF;
	s21 =	sshll.u32 s8, $0x1;
	s5 =	sadd.s32 s6, s19  }
0xa2: {  	s9 =	simm.s32 $0x0;
	s20 =	sshll.u32 s7, $0x1;
	s7 =	sadd.s32 s21, s5  }
0xa3: {  	[timem:s9], [sflag:s22] =	dma.local [hbm:s7], s20  }
0xa4: {  	_ =	swait.ge [sflag:s22], s20  }
0xa5: {  	s6 =	ssub.s32 $0x0, s20;
	[sflag:s22] =	ssyncset.done $0x0  }
0xa6: {  	[sflag:s22] =	ssyncadd.s32 s6;
	_ =	sdelay $0x1  }
0xa7: {  	s23 =	simm.s32 $0x1B8B  }
0xa8: {  	_ =	swait.ge [sflag:s23], $0x1  }
0xa9: {  	[sflag:s23] =	ssyncset.done $0x0  }
0xaa: {  	s25 =	simm.s32 $0x1B8E;
	s24 =	sld [smem:$0x3FFE];
	[sflag:s23] =	ssyncadd.s32 $0xFFFFFFFF  }
0xab: {  	s26 =	simm.s32 $execute0_lowered;
	[smem:$0x3FD2] =	sst s25  }
0xac: {  	s7 =	sshll.u32 s26, $0x1;
	_ =	strace $0x80000046;
	[dreg:$0x1] =	wrdreg $0xFFFFFFFF  }
0xad: {  	s28 =	simm.s32 $_size_execute0_lowered;
	s5 =	sadd.s32 s5, s7;
	[dreg:$0x0] =	wrdreg $0x0  }
0xae: {  	s7 =	sshll.u32 s28, $0x1;
	[dreg:$0x2] =	wrdreg s5  }
0xaf: {  	[dreg:$0x3] =	wrdreg s7  }
0xb0: {  	[dreg:$0x4] =	wrdreg $0xC0  }
0xb1: {  	_ =	task [dreg:s9], $0x5FFFF  }
0xb2: {  	[dreg:$0x1] =	wrdreg $0xFFFFFFFF  }
0xb3: {  	[dreg:$0x0] =	wrdreg $0x60  }
0xb4: {  	[dreg:$0x2] =	wrdreg s24  }
0xb5: {  	[dreg:$0x3] =	wrdreg s16  }
0xb6: {  	[dreg:$0x4] =	wrdreg s17  }
0xb7: {  	[dreg:$0x5] =	wrdreg s15  }
0xb8: {  	[dreg:$0x6] =	wrdreg $0x69800  }
0xb9: {  	[dreg:$0x7] =	wrdreg $0x9  }
0xba: {  	_ =	task.clear_ibuf [dreg:s9], $0x8FFFF;
	_ =	strace $0x90000046  }
0xbb: {  	s29 =	simm.s32 $0x9;
	_ =	strace $0x80000048  }
0xbc: {  	_ =	swait.ge [sflag:s29], $0x1  }
0xbd: {  	[sflag:s29] =	ssyncadd.s32 $0xFFFFFFFF  }
0xbe: {  	_ =	strace $0x90000048  }
0xbf: {  	_ =	sfence  }
0xc0: {  	s30 =	sld [smem:$0x0];
	_ =	sdelay $0x2  }
0xc1: {  	s31 =	sshll.u32 s1, $0xD;
	s1 =	sshrl.u32 s1, $0x2  }
0xc2: {  	s3 =	sand.u32 $0x4000, s31;
	s1 =	sadd.s32 s1, s30  }
0xc3: {  	s0 =	sor.u32 s3, s0;
	s1 =	sshll.u32 s1, $0x11  }
0xc4: {  	s0 =	sor.u32 s1, s0  }
0xc5: {  	s0 =	sadd.s32 $0x8F2B, s0  }
0xc6: {  	[sflag:s0] =	ssyncadd.remote.s32 $0x1  }
0xc7: {  	_ =	sfence.sel $0xFFFF  }
0xc8: {  	[dreg:$0x0] =	wrdreg $0xFFFFFFFF;
	(pc) =	sbr.abs _section_cstart, $3  }
0xc9: {  	[dreg:$0x1] =	wrdreg $0xFFFFFFFF  }
0xca: {  	_ =	task.clear_ibuf [dreg:s9], $0x2FFFF;
	_ =	strace $0x9FFFFFFF  }
0xcb: {  	(tm) =	ssettm $0x7FFFFFFF  }
tec
execute0_lowered:
.L_overlay_start_1:
0x0: {  	(tag) =	ssettag $0x1  }
0x1: {  	s8 =	rddreg [dreg:$0x0]  }
0x2: {  	s1 =	rddreg [dreg:$0x1]  }
0x3: {  	s2 =	rddreg [dreg:$0x2]  }
0x4: {  	s3 =	rddreg [dreg:$0x3]  }
0x5: {  	s4 =	rddreg [dreg:$0x4];
	s5 =	srdreg.scid  }
0x6: {  	s0 =	rddreg [dreg:$0x5];
	s6 =	simm.s32 $0x0;
	s16 =	simm.s32 $0x2980  }
0x7: {  	s17 =	simm.s32 $0x2;
	s18 =	simm.s32 $0x80;
	s9 =	sand.u32 $0x1, s5  }
0x8: {  	s19 =	simm.s32 $0x100;
	s5 =	stileid.u32;
	s10 =	smul.u32 $0x140000, s9  }
0x9: {  	s21 =	simm.s32 $0x180;
	s22 =	simm.s32 $0x1;
	s11 =	smul.u32 $0x14000, s5  }
0xa: {  	[smem:$0x7FF] =	sst s6;
	s7 =	sadd.s32 $0x2A00, s8;
	s12 =	smul.u32 $0x50000, s5  }
0xb: {  	_ =	strace $0x80000047;
	s31 =	ssub.s32 $0x2, s9;
	s20 =	smul.u32 $0x2710, s9  }
0xc: {  	s13 =	sshrl.u32 s31, $0x1;
	s10 =	sadd.s32 s11, s10;
	s12 =	sshrl.u32 s12, $0x2  }
0xd: {  	s15 =	ssub.s32 s31, s13;
	s13 =	smul.u32 $0x4E20, s5;
	s10 =	sshrl.u32 s10, $0x3  }
0xe: {  	v0 =	vmov s20;
	s20 =	simm.s32 $0x50;
	s14 =	sadd.s32 s10, s8;
	s8 =	sadd.s32 s12, s4  }
0xf: {  	s15 =	smax.u32 s15, $0x1;
	s9 =	sadd.s32 $0x4000, s8;
	s10 =	sadd.s32 $0x8000, s8  }
0x10: {  	v1 =	vimm.f32 $0.0e+00;
	s11 =	sadd.s32 $0xC000, s8;
	s12 =	sadd.s32 $0x10000, s8;
	s14 =	sadd.s32 $0x50C00, s14  }
.LBB2_1:
0x11: {  	s23 =	simm.s32 $0x0;
	s24 =	simm.s32 $0x200  }
.LBB2_2:
0x12: {  	p0 =	sne.s32 s24, $0xFE00;
	[tilespmem:s23+$0x29F0] =	vst v1  }
0x13: {  	[tilespmem:s23+$0x2980] =	vst v1  }
0x14: {  	[tilespmem:s23+$0x2990] =	vst v1  }
.Ltmp0:
0x15: {  	[tilespmem:s23+$0x29A0] =	vst v1;
	(pc) =	sbr.rel @p0 .LBB2_2-.Ltmp0, $4  }
0x16: {  	[tilespmem:s23+$0x29B0] =	vst v1  }
0x17: {  	[tilespmem:s23+$0x29C0] =	vst v1  }
0x18: {  	[tilespmem:s23+$0x29D0] =	vst v1  }
0x19: {  	[tilespmem:s23+$0x29E0] =	vst v1;
	s23 =	sshra.s32 s24, $0x2;
	s24 =	sadd.s32 $0x200, s24  }
0x1a: {  	[tilespmem:s23+$0x29F0] =	vst v1  }
0x1b: {  	[tilespmem:s23+$0x2980] =	vst v1  }
0x1c: {  	[tilespmem:s23+$0x2990] =	vst v1  }
0x1d: {  	[tilespmem:s23+$0x29A0] =	vst v1  }
0x1e: {  	[tilespmem:s23+$0x29B0] =	vst v1  }
0x1f: {  	[tilespmem:s23+$0x29C0] =	vst v1  }
0x20: {  	[tilespmem:s23+$0x29D0] =	vst v1  }
0x21: {  	[tilespmem:s23+$0x29E0] =	vst v1  }
0x22: {  	[spmem:s8] =	stream.linear.scatter [tilespmem:s16], [sflag:$0x2], $0x4000, $0x38;
	[tilespmem:$0x1A980] =	vst v63  }
0x23: {  	_ =	swait.ge [sflag:s17], $0x4000  }
0x24: {  	[sflag:s17] =	ssyncset.done $0x0  }
0x25: {  	[sflag:s17] =	ssyncadd.s32 $0xFFFFC000  }
0x26: {  	[spmem:s9] =	stream.linear.scatter [tilespmem:s16], [sflag:$0x2], $0x4000, $0x38;
	[tilespmem:$0x1A980] =	vst v63  }
0x27: {  	_ =	swait.ge [sflag:s17], $0x4000  }
0x28: {  	[sflag:s17] =	ssyncset.done $0x0  }
0x29: {  	[sflag:s17] =	ssyncadd.s32 $0xFFFFC000  }
0x2a: {  	[spmem:s10] =	stream.linear.scatter [tilespmem:s16], [sflag:$0x2], $0x4000, $0x38;
	[tilespmem:$0x1A980] =	vst v63  }
0x2b: {  	_ =	swait.ge [sflag:s17], $0x4000  }
0x2c: {  	[sflag:s17] =	ssyncset.done $0x0  }
0x2d: {  	[sflag:s17] =	ssyncadd.s32 $0xFFFFC000  }
0x2e: {  	[spmem:s11] =	stream.linear.scatter [tilespmem:s16], [sflag:$0x2], $0x4000, $0x38;
	[tilespmem:$0x1A980] =	vst v63  }
0x2f: {  	_ =	swait.ge [sflag:s17], $0x4000  }
0x30: {  	[sflag:s17] =	ssyncset.done $0x0  }
0x31: {  	[sflag:s17] =	ssyncadd.s32 $0xFFFFC000  }
0x32: {  	[spmem:s12] =	stream.linear.scatter [tilespmem:s16], [sflag:$0x2], $0x4000, $0x38;
	[tilespmem:$0x1A980] =	vst v63  }
0x33: {  	_ =	swait.ge [sflag:s17], $0x4000  }
0x34: {  	[sflag:s17] =	ssyncset.done $0x0  }
0x35: {  	[sflag:s17] =	ssyncadd.s32 $0xFFFFC000  }
0x36: {  	s23 =	simm.s32 $0x0;
	s24 =	simm.s32 $0x0;
	[bflag:$0x0] =	sbarrier.arrive $0xFFFF  }
.LBB2_4:
0x37: {  	s25 =	smul.u32 $0x50, s24;
	_ =	sdelay $0x1  }
0x38: {  	s25 =	sadd.s32 s13, s25  }
0x39: {  	s25 =	sshrl.u32 s25, $0x3  }
0x3a: {  	s26 =	sadd.s32 s1, s25  }
0x3b: {  	[tilespmem:s23], [sflag:$0x2] =	stream.linear.gather [hbm4b:s26+s23], $0x50, $0x38;
	[tilespmem:$0x1A980] =	vst v63  }
0x3c: {  	_ =	swait.ge [sflag:s17], $0x50  }
0x3d: {  	[sflag:s17] =	ssyncset.done $0x0  }
0x3e: {  	s31 =	sadd.s32 s2, s25;
	[sflag:s17] =	ssyncadd.s32 $0xFFFFFFB0  }
0x3f: {  	[tilespmem:s18], [sflag:$0x2] =	stream.linear.gather [hbm4b:s31+s23], $0x50, $0x38;
	[tilespmem:$0x1A980] =	vst v63  }
0x40: {  	_ =	swait.ge [sflag:s17], $0x50  }
0x41: {  	[sflag:s17] =	ssyncset.done $0x0  }
0x42: {  	s25 =	sadd.s32 s3, s25;
	[sflag:s17] =	ssyncadd.s32 $0xFFFFFFB0  }
0x43: {  	[tilespmem:s19], [sflag:$0x2] =	stream.linear.gather [hbm4b:s25+s23], $0x50, $0x38;
	[tilespmem:$0x1A980] =	vst v63  }
0x44: {  	_ =	swait.ge [sflag:s17], $0x50  }
0x45: {  	[sflag:s17] =	ssyncset.done $0x0  }
0x46: {  	[sflag:s17] =	ssyncadd.s32 $0xFFFFFFB0  }
0x47: {  	v2 =	vld [tilespmem:$0x0]  }
0x48: {  	v3 =	vld [tilespmem:$0x10]  }
0x49: {  	v4 =	vld [tilespmem:$0x20]  }
0x4a: {  	v5 =	vld [tilespmem:$0x30]  }
0x4b: {  	v6 =	vld [tilespmem:$0x40]  }
0x4c: {  	v2 =	vadd.s32 v0, v2  }
0x4d: {  	[tilespmem:$0x0] =	vst v2;
	v2 =	vadd.s32 v0, v3  }
0x4e: {  	[tilespmem:$0x10] =	vst v2;
	v2 =	vadd.s32 v0, v4  }
0x4f: {  	[tilespmem:$0x20] =	vst v2;
	v2 =	vadd.s32 v0, v5  }
0x50: {  	[tilespmem:$0x30] =	vst v2;
	v2 =	vadd.s32 v0, v6  }
0x51: {  	[tilespmem:$0x40] =	vst v2  }
0x52: {  	[tilespmem:s21], [sflag:$0x1] =	stream.indirect.gather [hbm4b:s7+s20], $0x80, s23, s20, $0xb8;
	[tilespmem:$0x1A980] =	vst v63  }
0x53: {  	_ =	swait.ge [sflag:s22], $0x2800  }
0x54: {  	[sflag:s22] =	ssyncset.done $0x0  }
0x55: {  	s26 =	simm.s32 $0x0;
	s25 =	simm.s32 $0x1C0;
	[sflag:s22] =	ssyncadd.s32 $0xFFFFD800  }
.LBB2_5:
0x56: {  	s28 =	sshll.u32 s26, $0x4  }
0x57: {  	v2 =	vld [tilespmem:s28+$0x100];
	_ =	sdelay $0x1  }
0x58: {  	v7 =	vld [tilespmem:s25+$0xFFFFFFC0]  }
0x59: {  	v9 =	vld [tilespmem:s25+$0xFFFFFFD0];
	s28 =	simm.s32 $0x0  }
0x5a: {  	v8 =	vld [tilespmem:s25+$0xFFFFFFE0];
	v3 =	vmov s28  }
0x5b: {  	v5 =	vld [tilespmem:s25+$0x0];
	v3 =	vperm.xlane v2, v3  }
0x5c: {  	v6 =	vld [tilespmem:s25+$0x10]  }
0x5d: {  	v4 =	vld [tilespmem:s25+$0x20];
	v10 =	vmul.f32 v7, v3  }
0x5e: {  	s29 =	simm.s32 $0x1;
	s30 =	smov.u32 s25;
	s28 =	smov.u32 s25;
	v9 =	vmul.f32 v9, v3;
	v7 =	vld [tilespmem:s25+$0x30]  }
.LBB2_6:
0x5f: {  	p0 =	sne.s32 s29, $0xF;
	[tilespmem:s28+$0xFFFFFFC0] =	vst v10;
	v8 =	vmul.f32 v8, v3;
	v10 =	vld [tilespmem:s28+$0xFFFFFFF0];
	s30 =	sadd.s32 $0x80, s30  }
0x60: {  	v11 =	vld [tilespmem:s30+$0xFFFFFFC0];
	[tilespmem:s28+$0xFFFFFFD0] =	vst v9;
	v5 =	vmul.f32 v5, v3  }
0x61: {  	v9 =	vld [tilespmem:s30+$0xFFFFFFD0];
	[tilespmem:s28+$0xFFFFFFE0] =	vst v8;
	v6 =	vmul.f32 v6, v3  }
.Ltmp1:
0x62: {  	v12 =	vmov s29;
	v8 =	vld [tilespmem:s30+$0xFFFFFFE0];
	[tilespmem:s28+$0x0] =	vst v5;
	v4 =	vmul.f32 v4, v3;
	(pc) =	sbr.rel @p0 .LBB2_6-.Ltmp1, $4  }
0x63: {  	v12 =	vperm.xlane v2, v12;
	v5 =	vld [tilespmem:s30+$0x0];
	[tilespmem:s28+$0x10] =	vst v6;
	v7 =	vmul.f32 v7, v3  }
0x64: {  	v6 =	vld [tilespmem:s30+$0x10];
	v13 =	vmul.f32 v10, v3;
	[tilespmem:s28+$0x20] =	vst v4  }
0x65: {  	v3 =	vmov v12;
	v10 =	vmul.f32 v11, v12;
	v4 =	vld [tilespmem:s30+$0x20];
	[tilespmem:s28+$0x30] =	vst v7  }
0x66: {  	s29 =	sadd.s32 $0x1, s29;
	v9 =	vmul.f32 v9, v3;
	v7 =	vld [tilespmem:s30+$0x30];
	[tilespmem:s28+$0xFFFFFFF0] =	vst v13;
	s28 =	smov.u32 s30  }
0x67: {  	[tilespmem:s28+$0xFFFFFFC0] =	vst v10;
	v2 =	vmul.f32 v8, v3;
	v63 =	vld [tilespmem:s28+$0xFFFFFFF0]  }
0x68: {  	s26 =	sadd.s32 $0x1, s26;
	[tilespmem:s28+$0xFFFFFFD0] =	vst v9;
	v5 =	vmul.f32 v5, v3  }
0x69: {  	p0 =	sne.s32 s26, $0x5;
	[tilespmem:s28+$0xFFFFFFE0] =	vst v2;
	v2 =	vmul.f32 v6, v3  }
.Ltmp2:
0x6a: {  	[tilespmem:s28+$0x0] =	vst v5;
	v4 =	vmul.f32 v4, v3;
	(pc) =	sbr.rel @p0 .LBB2_5-.Ltmp2, $4  }
0x6b: {  	[tilespmem:s28+$0x10] =	vst v2;
	v2 =	vmul.f32 v7, v3  }
0x6c: {  	v3 =	vmul.f32 v63, v3;
	[tilespmem:s28+$0x20] =	vst v4  }
0x6d: {  	[tilespmem:s28+$0x30] =	vst v2  }
0x6e: {  	s25 =	sadd.s32 $0x800, s25;
	[tilespmem:s28+$0xFFFFFFF0] =	vst v3  }
0x6f: {  	s24 =	sadd.s32 $0x1, s24  }
0x70: {  	p0 =	sne.s32 s24, $0xFA  }
.Ltmp3:
0x71: {  	_ = 	snop;
	(pc) =	sbr.rel @p0 .LBB2_4-.Ltmp3, $4  }
0x72: {  	[spmem:s4] =	stream.indirect.scatter.add.f32 [tilespmem:s21], [sflag:$0x2], $0x80, s18, s20, $0xb8;
	[tilespmem:$0x1A980] =	vst v63  }
0x73: {  	_ =	swait.ge [sflag:s17], $0x2800  }
0x74: {  	[sflag:s17] =	ssyncset.done $0x0  }
0x75: {  	[sflag:s17] =	ssyncadd.s32 $0xFFFFD800  }
0x76: {  	s6 =	sadd.s32 $0x1, s6  }
0x77: {  	s23 =	sshll.u32 s5, $0x6;
	[bflag:$0x0] =	sbarrier.arrive $0xFFFF;
	p0 =	sne.s32 s6, s15  }
.Ltmp4:
0x78: {  	s24 =	sshrl.u32 s8, $0x3;
	s23 =	sor.u32 $0x1C02, s23;
	(pc) =	sbr.rel @p0 .LBB2_1-.Ltmp4, $4  }
0x79: {  	[hbm:s14], [sflag:s23] =	dma.local [spmem:s24], $0x2800  }
0x7a: {  	_ =	swait.ge [sflag:s17], $0x2800  }
0x7b: {  	[sflag:s17] =	ssyncset.done $0x0  }
0x7c: {  	[sflag:s17] =	ssyncadd.s32 $0xFFFFD800  }
0x7d: {  	_ =	sfence.sel $0x180000  }
0x7e: {  	[bflag:$0x0] =	sbarrier.arrive $0xFFFF  }
0x7f: {  	p0 =	sne.s32 s5, $0x0;
	_ =	strace $0x90000047  }
0x80: {  	s0 =	sadd.s32 @!p0 $0x100000, s0;
	[bflag:$0x2] =	sbarrier.arrive $0xFFFF  }
0x81: {  	[sflag:s0] =	ssyncadd.tile.s32 @!p0 $0x1;
	_ =	shalt  }
.Lfunc_end2:
_tile_overlayer_lowered:
.L_overlay_start_2:
0x82: {  	(tag) =	ssettag $0x2  }
0x83: {  	s0 =	rddreg [dreg:$0x0];
	s2 =	stileid.u32  }
0x84: {  	s1 =	rddreg [dreg:$0x1];
	p0 =	sne.s32 s2, $0x0  }
0x85: {  	s3 =	rddreg [dreg:$0x2];
	[bflag:$0x3] =	sbarrier.arrive $0xFFFF;
	s2 =	simm.s32 @!p0 $0x1C02  }
0x86: {  	[timem:s3], [sflag:s2] =	dma.local @!p0 [hbm:s0], s1  }
0x87: {  	s0 =	simm.s32 @!p0 $0x2  }
0x88: {  	_ =	swait.ge @!p0 [sflag:s0], s1  }
0x89: {  	s1 =	ssub.s32 @!p0 $0x0, s1;
	[sflag:s0] =	ssyncset.done @!p0 $0x0  }
0x8a: {  	[sflag:s0] =	ssyncadd.s32 @!p0 s1  }
0x8b: {  	[bflag:$0x3] =	sbarrier.arrive $0xFFFF  }
0x8c: {  	_ =	shalt  }

</sc_bundles>
